<compile_context>
chip_gen: v7x
topology: tpu7x:2x2x1
jax: 0.10.2.dev20260603
libtpu: 0.0.44.dev20260713+nightly
codegen_flags: <defaults>
</compile_context>

<pallas_src>
import jax
import jax.numpy as jnp
from jax import lax
from jax.experimental import pallas as pl
from jax.experimental.pallas import tpu as pltpu
from jax.experimental.pallas import tpu_sc as plsc

_NC = 2
_NS = 16
_NW = _NC * _NS
_L = 16
_B = 16384
_D = 32
_BPW = _B // _NW
_CH = 128


def _tec_body(ent_hbm, rel_hbm, ph_hbm, pr_hbm, pt_hbm, nh_hbm, nr_hbm, nt_hbm,
              out_hbm,
              iv0, iv1, iv2, iv3, iv4, iv5,
              is0, is1, is2, is3, is4, is5,
              b0, b1, b2, b3, b4, b5, acc_v, sem):
    sid = lax.axis_index("s")
    wid = sid * _NC + lax.axis_index("c")
    base = wid * _BPW

    srcs = (ph_hbm, pr_hbm, pt_hbm, nh_hbm, nr_hbm, nt_hbm)
    tabs = (ent_hbm, rel_hbm, ent_hbm, ent_hbm, rel_hbm, ent_hbm)
    ivs = (iv0, iv1, iv2, iv3, iv4, iv5)
    iss = (is0, is1, is2, is3, is4, is5)
    bufs = (b0, b1, b2, b3, b4, b5)

    for t in range(6):
        pltpu.sync_copy(srcs[t].at[pl.ds(base, _BPW)],
                        ivs[t].at[pl.ds(sid * _BPW, _BPW)])

    acc = jnp.zeros((_L,), jnp.float32)
    for ci in range(_BPW // _CH):
        for t in range(6):
            pltpu.sync_copy(ivs[t].at[pl.ds(sid * _BPW + ci * _CH, _CH)],
                            iss[t])

        def row(i, c):
            for t in range(6):
                pltpu.async_copy(
                    tabs[t].at[pl.ds(iss[t][i], 1), :],
                    bufs[t].at[pl.ds(i, 1), :],
                    sem)
            return c

        lax.fori_loop(0, _CH, row, 0)

        for t in range(6):
            pltpu.make_async_copy(tabs[t], bufs[t], sem).wait()

        def step(r, a):
            for c in (0, _L):
                p = jnp.abs(b0[r, pl.ds(c, _L)] + b1[r, pl.ds(c, _L)]
                            - b2[r, pl.ds(c, _L)])
                n = jnp.abs(b3[r, pl.ds(c, _L)] + b4[r, pl.ds(c, _L)]
                            - b5[r, pl.ds(c, _L)])
                a = a + (n - p)
            return a

        acc = lax.fori_loop(0, _CH, step, acc)

    acc_v[...] = acc
    pltpu.sync_copy(acc_v, out_hbm.at[wid])


@jax.jit
def kernel(pos_exmpl, neg_exmpl, entity_emb, relation_emb):
    mesh = plsc.VectorSubcoreMesh(core_axis_name="c", subcore_axis_name="s")
    partials = pl.kernel(
        _tec_body,
        out_type=jax.ShapeDtypeStruct((_NW, _L), jnp.float32),
        mesh=mesh,
        scratch_types=(
            [pltpu.VMEM_SHARED((_NS * _BPW,), jnp.int32)] * 6
            + [pltpu.SMEM((_CH,), jnp.int32)] * 6
            + [pltpu.VMEM((_CH, _D), jnp.float32)] * 6
            + [pltpu.VMEM((_L,), jnp.float32), pltpu.SemaphoreType.DMA]
        ),
        compiler_params=pltpu.CompilerParams(use_tc_tiling_on_sc=True),
    )(entity_emb, relation_emb,
      pos_exmpl[0].astype(jnp.int32), pos_exmpl[1].astype(jnp.int32),
      pos_exmpl[2].astype(jnp.int32), neg_exmpl[0].astype(jnp.int32),
      neg_exmpl[1].astype(jnp.int32), neg_exmpl[2].astype(jnp.int32))
    return jnp.maximum(0.0, jnp.sum(partials) + 1.0)

# --- scband reference (transcript-rebuilt; emitter-appended) ---
"""Pipeline reference for scband-trans-e-9139690406273 (READ-ONLY COPY).

The authoritative reference and input builder live on the scoring server;
editing this copy changes nothing except your own understanding.
"""

import jax, jax.numpy as jnp
import numpy as np

NUM_ENTITIES = 1000000
NUM_RELATIONS = 1000000
EMBEDDING_DIM = 32
BATCH = 16384
MARGIN = 1.0


def setup_inputs(seed: int = 0) -> dict:
    key = jax.random.key(seed)
    k1, k2, k3, k4 = jax.random.split(key, 4)
    pos_exmpl = jax.random.randint(k1, (3, BATCH), 0, NUM_ENTITIES)
    neg_exmpl = jax.random.randint(k2, (3, BATCH), 0, NUM_ENTITIES)
    entity_emb = jax.random.normal(k3, (NUM_ENTITIES, EMBEDDING_DIM), dtype=jnp.float32) * 0.1
    relation_emb = jax.random.normal(k4, (NUM_RELATIONS, EMBEDDING_DIM), dtype=jnp.float32) * 0.1
    return {"pos_exmpl": pos_exmpl, "neg_exmpl": neg_exmpl,
            "entity_emb": entity_emb, "relation_emb": relation_emb}


def _calc_score(h_emb, r_emb, t_emb):
    # score = -sum(|h + r - t|) over the whole batch (matches torch.sum with no dim)
    return -jnp.sum(jnp.abs(h_emb + r_emb - t_emb))


def reference(pos_exmpl, neg_exmpl, entity_emb, relation_emb):
    pos_h, pos_r, pos_t = pos_exmpl[0], pos_exmpl[1], pos_exmpl[2]
    neg_h, neg_r, neg_t = neg_exmpl[0], neg_exmpl[1], neg_exmpl[2]

    pos_h_emb = jnp.take(entity_emb, pos_h, axis=0)
    pos_r_emb = jnp.take(relation_emb, pos_r, axis=0)
    pos_t_emb = jnp.take(entity_emb, pos_t, axis=0)

    neg_h_emb = jnp.take(entity_emb, neg_h, axis=0)
    neg_r_emb = jnp.take(relation_emb, neg_r, axis=0)
    neg_t_emb = jnp.take(entity_emb, neg_t, axis=0)

    pos_score = _calc_score(pos_h_emb, pos_r_emb, pos_t_emb)
    neg_score = _calc_score(neg_h_emb, neg_r_emb, neg_t_emb)

    # MarginRankingLoss with y = -1, size_average=False over a single element:
    # loss = max(0, -y*(pos - neg) + margin) = max(0, pos - neg + margin)
    loss = jnp.maximum(0.0, pos_score - neg_score + MARGIN)
    return loss

if __name__ == "__main__":
    import jax
    _d = setup_inputs()
    print(jax.jit(kernel)(*tuple(_d.values())))

</pallas_src>

<mosaic_0001>
#map = affine_map<(d0, d1) -> (0, 0)>
#map1 = affine_map<(d0, d1) -> (0)>
module attributes {stable_mosaic.version = 14 : i64} {
  func.func @_tec_body(%arg0: i32, %arg1: i32, %arg2: memref<1000000x32xf32, #tpu.memory_space<hbm>>, %arg3: memref<1000000x32xf32, #tpu.memory_space<hbm>>, %arg4: memref<16384xi32, #tpu.memory_space<hbm>>, %arg5: memref<16384xi32, #tpu.memory_space<hbm>>, %arg6: memref<16384xi32, #tpu.memory_space<hbm>>, %arg7: memref<16384xi32, #tpu.memory_space<hbm>>, %arg8: memref<16384xi32, #tpu.memory_space<hbm>>, %arg9: memref<16384xi32, #tpu.memory_space<hbm>>, %arg10: memref<32x16xf32, #tpu.memory_space<hbm>>, %arg11: memref<8192xi32, #tpu.memory_space<vmem_shared>>, %arg12: memref<8192xi32, #tpu.memory_space<vmem_shared>>, %arg13: memref<8192xi32, #tpu.memory_space<vmem_shared>>, %arg14: memref<8192xi32, #tpu.memory_space<vmem_shared>>, %arg15: memref<8192xi32, #tpu.memory_space<vmem_shared>>, %arg16: memref<8192xi32, #tpu.memory_space<vmem_shared>>, %arg17: memref<128xi32, #tpu.memory_space<smem>>, %arg18: memref<128xi32, #tpu.memory_space<smem>>, %arg19: memref<128xi32, #tpu.memory_space<smem>>, %arg20: memref<128xi32, #tpu.memory_space<smem>>, %arg21: memref<128xi32, #tpu.memory_space<smem>>, %arg22: memref<128xi32, #tpu.memory_space<smem>>, %arg23: memref<128x32xf32, #tpu.memory_space<vmem>>, %arg24: memref<128x32xf32, #tpu.memory_space<vmem>>, %arg25: memref<128x32xf32, #tpu.memory_space<vmem>>, %arg26: memref<128x32xf32, #tpu.memory_space<vmem>>, %arg27: memref<128x32xf32, #tpu.memory_space<vmem>>, %arg28: memref<128x32xf32, #tpu.memory_space<vmem>>, %arg29: memref<16xf32, #tpu.memory_space<vmem>>, %arg30: memref<!tpu.dma_semaphore, #tpu.memory_space<semaphore_mem>>) attributes {dimension_semantics = [#tpu.dimension_semantics<core_parallel>, #tpu.dimension_semantics<subcore_parallel>], iteration_bounds = array<i64: 2, 16>, scalar_prefetch = 0 : i64, scratch_operands = 20 : i64, tpu.core_type = #tpu.core_type<sc_vector_subcore>, window_params = [{transform_indices = #map}, {transform_indices = #map}, {transform_indices = #map1}, {transform_indices = #map1}, {transform_indices = #map1}, {transform_indices = #map1}, {transform_indices = #map1}, {transform_indices = #map1}, {transform_indices = #map}]} {
    %mul3A = arith.constant 2 : i32
    %mul3A_0 = arith.muli %arg1, %mul3A : i32
    %add3A = arith.addi %mul3A_0, %arg0 : i32
    %mul3A_1 = arith.constant 512 : i32
    %mul3A_2 = arith.muli %add3A, %mul3A_1 : i32
    %mul3A_3 = arith.constant 512 : i32
    %mul3A_4 = arith.muli %arg1, %mul3A_3 : i32
    "tpu.region"() ({
      %run_scoped3A = tpu.sem_alloc : memref<!tpu.dma_semaphore, #tpu.memory_space<semaphore_mem>>
      %dma_start3A = tpu.memref_slice %arg11[%mul3A_4] : memref<8192xi32, #tpu.memory_space<vmem_shared>> -> memref<512xi32, #tpu.memory_space<vmem_shared>>
      %dma_start3A_162 = tpu.memref_slice %arg4[%mul3A_2] : memref<16384xi32, #tpu.memory_space<hbm>> -> memref<512xi32, #tpu.memory_space<hbm>>
      tpu.enqueue_dma source(%dma_start3A_162 : memref<512xi32, #tpu.memory_space<hbm>>) target(%dma_start3A : memref<512xi32, #tpu.memory_space<vmem_shared>>) target_semaphore(%run_scoped3A : memref<!tpu.dma_semaphore, #tpu.memory_space<semaphore_mem>>)
      %dma_wait3A = tpu.memref_slice %arg11[%mul3A_4] : memref<8192xi32, #tpu.memory_space<vmem_shared>> -> memref<512xi32, #tpu.memory_space<vmem_shared>>
      %dma_wait3A_163 = tpu.memref_slice %arg4[%mul3A_2] : memref<16384xi32, #tpu.memory_space<hbm>> -> memref<512xi32, #tpu.memory_space<hbm>>
      tpu.wait_dma2 semaphore(%run_scoped3A : memref<!tpu.dma_semaphore, #tpu.memory_space<semaphore_mem>>) src(%dma_wait3A_163 : memref<512xi32, #tpu.memory_space<hbm>>) dst(%dma_wait3A : memref<512xi32, #tpu.memory_space<vmem_shared>>)
      tpu.yield
    }) : () -> ()
    %mul3A_5 = arith.constant 512 : i32
    %mul3A_6 = arith.muli %arg1, %mul3A_5 : i32
    "tpu.region"() ({
      %run_scoped3A = tpu.sem_alloc : memref<!tpu.dma_semaphore, #tpu.memory_space<semaphore_mem>>
      %dma_start3A = tpu.memref_slice %arg12[%mul3A_6] : memref<8192xi32, #tpu.memory_space<vmem_shared>> -> memref<512xi32, #tpu.memory_space<vmem_shared>>
      %dma_start3A_162 = tpu.memref_slice %arg5[%mul3A_2] : memref<16384xi32, #tpu.memory_space<hbm>> -> memref<512xi32, #tpu.memory_space<hbm>>
      tpu.enqueue_dma source(%dma_start3A_162 : memref<512xi32, #tpu.memory_space<hbm>>) target(%dma_start3A : memref<512xi32, #tpu.memory_space<vmem_shared>>) target_semaphore(%run_scoped3A : memref<!tpu.dma_semaphore, #tpu.memory_space<semaphore_mem>>)
      %dma_wait3A = tpu.memref_slice %arg12[%mul3A_6] : memref<8192xi32, #tpu.memory_space<vmem_shared>> -> memref<512xi32, #tpu.memory_space<vmem_shared>>
      %dma_wait3A_163 = tpu.memref_slice %arg5[%mul3A_2] : memref<16384xi32, #tpu.memory_space<hbm>> -> memref<512xi32, #tpu.memory_space<hbm>>
      tpu.wait_dma2 semaphore(%run_scoped3A : memref<!tpu.dma_semaphore, #tpu.memory_space<semaphore_mem>>) src(%dma_wait3A_163 : memref<512xi32, #tpu.memory_space<hbm>>) dst(%dma_wait3A : memref<512xi32, #tpu.memory_space<vmem_shared>>)
      tpu.yield
    }) : () -> ()
    %mul3A_7 = arith.constant 512 : i32
    %mul3A_8 = arith.muli %arg1, %mul3A_7 : i32
    "tpu.region"() ({
      %run_scoped3A = tpu.sem_alloc : memref<!tpu.dma_semaphore, #tpu.memory_space<semaphore_mem>>
      %dma_start3A = tpu.memref_slice %arg13[%mul3A_8] : memref<8192xi32, #tpu.memory_space<vmem_shared>> -> memref<512xi32, #tpu.memory_space<vmem_shared>>
      %dma_start3A_162 = tpu.memref_slice %arg6[%mul3A_2] : memref<16384xi32, #tpu.memory_space<hbm>> -> memref<512xi32, #tpu.memory_space<hbm>>
      tpu.enqueue_dma source(%dma_start3A_162 : memref<512xi32, #tpu.memory_space<hbm>>) target(%dma_start3A : memref<512xi32, #tpu.memory_space<vmem_shared>>) target_semaphore(%run_scoped3A : memref<!tpu.dma_semaphore, #tpu.memory_space<semaphore_mem>>)
      %dma_wait3A = tpu.memref_slice %arg13[%mul3A_8] : memref<8192xi32, #tpu.memory_space<vmem_shared>> -> memref<512xi32, #tpu.memory_space<vmem_shared>>
      %dma_wait3A_163 = tpu.memref_slice %arg6[%mul3A_2] : memref<16384xi32, #tpu.memory_space<hbm>> -> memref<512xi32, #tpu.memory_space<hbm>>
      tpu.wait_dma2 semaphore(%run_scoped3A : memref<!tpu.dma_semaphore, #tpu.memory_space<semaphore_mem>>) src(%dma_wait3A_163 : memref<512xi32, #tpu.memory_space<hbm>>) dst(%dma_wait3A : memref<512xi32, #tpu.memory_space<vmem_shared>>)
      tpu.yield
    }) : () -> ()
    %mul3A_9 = arith.constant 512 : i32
    %mul3A_10 = arith.muli %arg1, %mul3A_9 : i32
    "tpu.region"() ({
      %run_scoped3A = tpu.sem_alloc : memref<!tpu.dma_semaphore, #tpu.memory_space<semaphore_mem>>
      %dma_start3A = tpu.memref_slice %arg14[%mul3A_10] : memref<8192xi32, #tpu.memory_space<vmem_shared>> -> memref<512xi32, #tpu.memory_space<vmem_shared>>
      %dma_start3A_162 = tpu.memref_slice %arg7[%mul3A_2] : memref<16384xi32, #tpu.memory_space<hbm>> -> memref<512xi32, #tpu.memory_space<hbm>>
      tpu.enqueue_dma source(%dma_start3A_162 : memref<512xi32, #tpu.memory_space<hbm>>) target(%dma_start3A : memref<512xi32, #tpu.memory_space<vmem_shared>>) target_semaphore(%run_scoped3A : memref<!tpu.dma_semaphore, #tpu.memory_space<semaphore_mem>>)
      %dma_wait3A = tpu.memref_slice %arg14[%mul3A_10] : memref<8192xi32, #tpu.memory_space<vmem_shared>> -> memref<512xi32, #tpu.memory_space<vmem_shared>>
      %dma_wait3A_163 = tpu.memref_slice %arg7[%mul3A_2] : memref<16384xi32, #tpu.memory_space<hbm>> -> memref<512xi32, #tpu.memory_space<hbm>>
      tpu.wait_dma2 semaphore(%run_scoped3A : memref<!tpu.dma_semaphore, #tpu.memory_space<semaphore_mem>>) src(%dma_wait3A_163 : memref<512xi32, #tpu.memory_space<hbm>>) dst(%dma_wait3A : memref<512xi32, #tpu.memory_space<vmem_shared>>)
      tpu.yield
    }) : () -> ()
    %mul3A_11 = arith.constant 512 : i32
    %mul3A_12 = arith.muli %arg1, %mul3A_11 : i32
    "tpu.region"() ({
      %run_scoped3A = tpu.sem_alloc : memref<!tpu.dma_semaphore, #tpu.memory_space<semaphore_mem>>
      %dma_start3A = tpu.memref_slice %arg15[%mul3A_12] : memref<8192xi32, #tpu.memory_space<vmem_shared>> -> memref<512xi32, #tpu.memory_space<vmem_shared>>
      %dma_start3A_162 = tpu.memref_slice %arg8[%mul3A_2] : memref<16384xi32, #tpu.memory_space<hbm>> -> memref<512xi32, #tpu.memory_space<hbm>>
      tpu.enqueue_dma source(%dma_start3A_162 : memref<512xi32, #tpu.memory_space<hbm>>) target(%dma_start3A : memref<512xi32, #tpu.memory_space<vmem_shared>>) target_semaphore(%run_scoped3A : memref<!tpu.dma_semaphore, #tpu.memory_space<semaphore_mem>>)
      %dma_wait3A = tpu.memref_slice %arg15[%mul3A_12] : memref<8192xi32, #tpu.memory_space<vmem_shared>> -> memref<512xi32, #tpu.memory_space<vmem_shared>>
      %dma_wait3A_163 = tpu.memref_slice %arg8[%mul3A_2] : memref<16384xi32, #tpu.memory_space<hbm>> -> memref<512xi32, #tpu.memory_space<hbm>>
      tpu.wait_dma2 semaphore(%run_scoped3A : memref<!tpu.dma_semaphore, #tpu.memory_space<semaphore_mem>>) src(%dma_wait3A_163 : memref<512xi32, #tpu.memory_space<hbm>>) dst(%dma_wait3A : memref<512xi32, #tpu.memory_space<vmem_shared>>)
      tpu.yield
    }) : () -> ()
    %mul3A_13 = arith.constant 512 : i32
    %mul3A_14 = arith.muli %arg1, %mul3A_13 : i32
    "tpu.region"() ({
      %run_scoped3A = tpu.sem_alloc : memref<!tpu.dma_semaphore, #tpu.memory_space<semaphore_mem>>
      %dma_start3A = tpu.memref_slice %arg16[%mul3A_14] : memref<8192xi32, #tpu.memory_space<vmem_shared>> -> memref<512xi32, #tpu.memory_space<vmem_shared>>
      %dma_start3A_162 = tpu.memref_slice %arg9[%mul3A_2] : memref<16384xi32, #tpu.memory_space<hbm>> -> memref<512xi32, #tpu.memory_space<hbm>>
      tpu.enqueue_dma source(%dma_start3A_162 : memref<512xi32, #tpu.memory_space<hbm>>) target(%dma_start3A : memref<512xi32, #tpu.memory_space<vmem_shared>>) target_semaphore(%run_scoped3A : memref<!tpu.dma_semaphore, #tpu.memory_space<semaphore_mem>>)
      %dma_wait3A = tpu.memref_slice %arg16[%mul3A_14] : memref<8192xi32, #tpu.memory_space<vmem_shared>> -> memref<512xi32, #tpu.memory_space<vmem_shared>>
      %dma_wait3A_163 = tpu.memref_slice %arg9[%mul3A_2] : memref<16384xi32, #tpu.memory_space<hbm>> -> memref<512xi32, #tpu.memory_space<hbm>>
      tpu.wait_dma2 semaphore(%run_scoped3A : memref<!tpu.dma_semaphore, #tpu.memory_space<semaphore_mem>>) src(%dma_wait3A_163 : memref<512xi32, #tpu.memory_space<hbm>>) dst(%dma_wait3A : memref<512xi32, #tpu.memory_space<vmem_shared>>)
      tpu.yield
    }) : () -> ()
    %broadcast_in_dim3A = arith.constant 0.000000e+00 : f32
    %broadcast_in_dim3A_15 = vector.broadcast %broadcast_in_dim3A : f32 to vector<16xf32>
    %mul3A_16 = arith.constant 512 : i32
    %mul3A_17 = arith.muli %arg1, %mul3A_16 : i32
    %add3A_18 = arith.constant 0 : i32
    %add3A_19 = arith.addi %mul3A_17, %add3A_18 : i32
    "tpu.region"() ({
      %run_scoped3A = tpu.sem_alloc : memref<!tpu.dma_semaphore, #tpu.memory_space<semaphore_mem>>
      %dma_start3A = tpu.memref_slice %arg11[%add3A_19] : memref<8192xi32, #tpu.memory_space<vmem_shared>> -> memref<128xi32, #tpu.memory_space<vmem_shared>>
      tpu.enqueue_dma source(%dma_start3A : memref<128xi32, #tpu.memory_space<vmem_shared>>) target(%arg17 : memref<128xi32, #tpu.memory_space<smem>>) target_semaphore(%run_scoped3A : memref<!tpu.dma_semaphore, #tpu.memory_space<semaphore_mem>>)
      %dma_wait3A = tpu.memref_slice %arg11[%add3A_19] : memref<8192xi32, #tpu.memory_space<vmem_shared>> -> memref<128xi32, #tpu.memory_space<vmem_shared>>
      tpu.wait_dma2 semaphore(%run_scoped3A : memref<!tpu.dma_semaphore, #tpu.memory_space<semaphore_mem>>) src(%dma_wait3A : memref<128xi32, #tpu.memory_space<vmem_shared>>) dst(%arg17 : memref<128xi32, #tpu.memory_space<smem>>)
      tpu.yield
    }) : () -> ()
    %mul3A_20 = arith.constant 512 : i32
    %mul3A_21 = arith.muli %arg1, %mul3A_20 : i32
    %add3A_22 = arith.constant 0 : i32
    %add3A_23 = arith.addi %mul3A_21, %add3A_22 : i32
    "tpu.region"() ({
      %run_scoped3A = tpu.sem_alloc : memref<!tpu.dma_semaphore, #tpu.memory_space<semaphore_mem>>
      %dma_start3A = tpu.memref_slice %arg12[%add3A_23] : memref<8192xi32, #tpu.memory_space<vmem_shared>> -> memref<128xi32, #tpu.memory_space<vmem_shared>>
      tpu.enqueue_dma source(%dma_start3A : memref<128xi32, #tpu.memory_space<vmem_shared>>) target(%arg18 : memref<128xi32, #tpu.memory_space<smem>>) target_semaphore(%run_scoped3A : memref<!tpu.dma_semaphore, #tpu.memory_space<semaphore_mem>>)
      %dma_wait3A = tpu.memref_slice %arg12[%add3A_23] : memref<8192xi32, #tpu.memory_space<vmem_shared>> -> memref<128xi32, #tpu.memory_space<vmem_shared>>
      tpu.wait_dma2 semaphore(%run_scoped3A : memref<!tpu.dma_semaphore, #tpu.memory_space<semaphore_mem>>) src(%dma_wait3A : memref<128xi32, #tpu.memory_space<vmem_shared>>) dst(%arg18 : memref<128xi32, #tpu.memory_space<smem>>)
      tpu.yield
    }) : () -> ()
    %mul3A_24 = arith.constant 512 : i32
    %mul3A_25 = arith.muli %arg1, %mul3A_24 : i32
    %add3A_26 = arith.constant 0 : i32
    %add3A_27 = arith.addi %mul3A_25, %add3A_26 : i32
    "tpu.region"() ({
      %run_scoped3A = tpu.sem_alloc : memref<!tpu.dma_semaphore, #tpu.memory_space<semaphore_mem>>
      %dma_start3A = tpu.memref_slice %arg13[%add3A_27] : memref<8192xi32, #tpu.memory_space<vmem_shared>> -> memref<128xi32, #tpu.memory_space<vmem_shared>>
      tpu.enqueue_dma source(%dma_start3A : memref<128xi32, #tpu.memory_space<vmem_shared>>) target(%arg19 : memref<128xi32, #tpu.memory_space<smem>>) target_semaphore(%run_scoped3A : memref<!tpu.dma_semaphore, #tpu.memory_space<semaphore_mem>>)
      %dma_wait3A = tpu.memref_slice %arg13[%add3A_27] : memref<8192xi32, #tpu.memory_space<vmem_shared>> -> memref<128xi32, #tpu.memory_space<vmem_shared>>
      tpu.wait_dma2 semaphore(%run_scoped3A : memref<!tpu.dma_semaphore, #tpu.memory_space<semaphore_mem>>) src(%dma_wait3A : memref<128xi32, #tpu.memory_space<vmem_shared>>) dst(%arg19 : memref<128xi32, #tpu.memory_space<smem>>)
      tpu.yield
    }) : () -> ()
    %mul3A_28 = arith.constant 512 : i32
    %mul3A_29 = arith.muli %arg1, %mul3A_28 : i32
    %add3A_30 = arith.constant 0 : i32
    %add3A_31 = arith.addi %mul3A_29, %add3A_30 : i32
    "tpu.region"() ({
      %run_scoped3A = tpu.sem_alloc : memref<!tpu.dma_semaphore, #tpu.memory_space<semaphore_mem>>
      %dma_start3A = tpu.memref_slice %arg14[%add3A_31] : memref<8192xi32, #tpu.memory_space<vmem_shared>> -> memref<128xi32, #tpu.memory_space<vmem_shared>>
      tpu.enqueue_dma source(%dma_start3A : memref<128xi32, #tpu.memory_space<vmem_shared>>) target(%arg20 : memref<128xi32, #tpu.memory_space<smem>>) target_semaphore(%run_scoped3A : memref<!tpu.dma_semaphore, #tpu.memory_space<semaphore_mem>>)
      %dma_wait3A = tpu.memref_slice %arg14[%add3A_31] : memref<8192xi32, #tpu.memory_space<vmem_shared>> -> memref<128xi32, #tpu.memory_space<vmem_shared>>
      tpu.wait_dma2 semaphore(%run_scoped3A : memref<!tpu.dma_semaphore, #tpu.memory_space<semaphore_mem>>) src(%dma_wait3A : memref<128xi32, #tpu.memory_space<vmem_shared>>) dst(%arg20 : memref<128xi32, #tpu.memory_space<smem>>)
      tpu.yield
    }) : () -> ()
    %mul3A_32 = arith.constant 512 : i32
    %mul3A_33 = arith.muli %arg1, %mul3A_32 : i32
    %add3A_34 = arith.constant 0 : i32
    %add3A_35 = arith.addi %mul3A_33, %add3A_34 : i32
    "tpu.region"() ({
      %run_scoped3A = tpu.sem_alloc : memref<!tpu.dma_semaphore, #tpu.memory_space<semaphore_mem>>
      %dma_start3A = tpu.memref_slice %arg15[%add3A_35] : memref<8192xi32, #tpu.memory_space<vmem_shared>> -> memref<128xi32, #tpu.memory_space<vmem_shared>>
      tpu.enqueue_dma source(%dma_start3A : memref<128xi32, #tpu.memory_space<vmem_shared>>) target(%arg21 : memref<128xi32, #tpu.memory_space<smem>>) target_semaphore(%run_scoped3A : memref<!tpu.dma_semaphore, #tpu.memory_space<semaphore_mem>>)
      %dma_wait3A = tpu.memref_slice %arg15[%add3A_35] : memref<8192xi32, #tpu.memory_space<vmem_shared>> -> memref<128xi32, #tpu.memory_space<vmem_shared>>
      tpu.wait_dma2 semaphore(%run_scoped3A : memref<!tpu.dma_semaphore, #tpu.memory_space<semaphore_mem>>) src(%dma_wait3A : memref<128xi32, #tpu.memory_space<vmem_shared>>) dst(%arg21 : memref<128xi32, #tpu.memory_space<smem>>)
      tpu.yield
    }) : () -> ()
    %mul3A_36 = arith.constant 512 : i32
    %mul3A_37 = arith.muli %arg1, %mul3A_36 : i32
    %add3A_38 = arith.constant 0 : i32
    %add3A_39 = arith.addi %mul3A_37, %add3A_38 : i32
    "tpu.region"() ({
      %run_scoped3A = tpu.sem_alloc : memref<!tpu.dma_semaphore, #tpu.memory_space<semaphore_mem>>
      %dma_start3A = tpu.memref_slice %arg16[%add3A_39] : memref<8192xi32, #tpu.memory_space<vmem_shared>> -> memref<128xi32, #tpu.memory_space<vmem_shared>>
      tpu.enqueue_dma source(%dma_start3A : memref<128xi32, #tpu.memory_space<vmem_shared>>) target(%arg22 : memref<128xi32, #tpu.memory_space<smem>>) target_semaphore(%run_scoped3A : memref<!tpu.dma_semaphore, #tpu.memory_space<semaphore_mem>>)
      %dma_wait3A = tpu.memref_slice %arg16[%add3A_39] : memref<8192xi32, #tpu.memory_space<vmem_shared>> -> memref<128xi32, #tpu.memory_space<vmem_shared>>
      tpu.wait_dma2 semaphore(%run_scoped3A : memref<!tpu.dma_semaphore, #tpu.memory_space<semaphore_mem>>) src(%dma_wait3A : memref<128xi32, #tpu.memory_space<vmem_shared>>) dst(%arg22 : memref<128xi32, #tpu.memory_space<smem>>)
      tpu.yield
    }) : () -> ()
    %scan3A = arith.constant 0 : i32
    %scan3A_40 = arith.constant 0 : i32
    %scan3A_41 = arith.constant 128 : i32
    %scan3A_42 = arith.addi %scan3A_40, %scan3A_41 : i32
    %scan3A_43 = arith.constant 1 : i32
    scf.for %scan3A_162 = %scan3A_40 to %scan3A_42 step %scan3A_43  : i32 {
      %get3A = arith.index_cast %scan3A_162 : i32 to index
      %get3A_163 = memref.load %arg17[%get3A] : memref<128xi32, #tpu.memory_space<smem>>
      %dma_start3A = arith.constant 0 : i32
      %dma_start3A_164 = tpu.memref_slice %arg23[%scan3A_162, %dma_start3A] : memref<128x32xf32, #tpu.memory_space<vmem>> -> memref<1x32xf32, #tpu.memory_space<vmem>>
      %dma_start3A_165 = arith.constant 0 : i32
      %dma_start3A_166 = tpu.memref_slice %arg2[%get3A_163, %dma_start3A_165] : memref<1000000x32xf32, #tpu.memory_space<hbm>> -> memref<1x32xf32, #tpu.memory_space<hbm>>
      %dma_start3A_167 = arith.constant 0 : i32
      %dma_start3A_168 = tpu.memref_slice %arg23[%scan3A_162, %dma_start3A_167] : memref<128x32xf32, #tpu.memory_space<vmem>> -> memref<1x32xf32, #tpu.memory_space<vmem>>
      %dma_start3A_169 = arith.constant 0 : i32
      %dma_start3A_170 = tpu.memref_slice %arg2[%get3A_163, %dma_start3A_169] : memref<1000000x32xf32, #tpu.memory_space<hbm>> -> memref<1x32xf32, #tpu.memory_space<hbm>>
      tpu.enqueue_dma source(%dma_start3A_170 : memref<1x32xf32, #tpu.memory_space<hbm>>) target(%dma_start3A_168 : memref<1x32xf32, #tpu.memory_space<vmem>>) target_semaphore(%arg30 : memref<!tpu.dma_semaphore, #tpu.memory_space<semaphore_mem>>)
      %get3A_171 = arith.index_cast %scan3A_162 : i32 to index
      %get3A_172 = memref.load %arg18[%get3A_171] : memref<128xi32, #tpu.memory_space<smem>>
      %dma_start3A_173 = arith.constant 0 : i32
      %dma_start3A_174 = tpu.memref_slice %arg24[%scan3A_162, %dma_start3A_173] : memref<128x32xf32, #tpu.memory_space<vmem>> -> memref<1x32xf32, #tpu.memory_space<vmem>>
      %dma_start3A_175 = arith.constant 0 : i32
      %dma_start3A_176 = tpu.memref_slice %arg3[%get3A_172, %dma_start3A_175] : memref<1000000x32xf32, #tpu.memory_space<hbm>> -> memref<1x32xf32, #tpu.memory_space<hbm>>
      %dma_start3A_177 = arith.constant 0 : i32
      %dma_start3A_178 = tpu.memref_slice %arg24[%scan3A_162, %dma_start3A_177] : memref<128x32xf32, #tpu.memory_space<vmem>> -> memref<1x32xf32, #tpu.memory_space<vmem>>
      %dma_start3A_179 = arith.constant 0 : i32
      %dma_start3A_180 = tpu.memref_slice %arg3[%get3A_172, %dma_start3A_179] : memref<1000000x32xf32, #tpu.memory_space<hbm>> -> memref<1x32xf32, #tpu.memory_space<hbm>>
      tpu.enqueue_dma source(%dma_start3A_180 : memref<1x32xf32, #tpu.memory_space<hbm>>) target(%dma_start3A_178 : memref<1x32xf32, #tpu.memory_space<vmem>>) target_semaphore(%arg30 : memref<!tpu.dma_semaphore, #tpu.memory_space<semaphore_mem>>)
      %get3A_181 = arith.index_cast %scan3A_162 : i32 to index
      %get3A_182 = memref.load %arg19[%get3A_181] : memref<128xi32, #tpu.memory_space<smem>>
      %dma_start3A_183 = arith.constant 0 : i32
      %dma_start3A_184 = tpu.memref_slice %arg25[%scan3A_162, %dma_start3A_183] : memref<128x32xf32, #tpu.memory_space<vmem>> -> memref<1x32xf32, #tpu.memory_space<vmem>>
      %dma_start3A_185 = arith.constant 0 : i32
      %dma_start3A_186 = tpu.memref_slice %arg2[%get3A_182, %dma_start3A_185] : memref<1000000x32xf32, #tpu.memory_space<hbm>> -> memref<1x32xf32, #tpu.memory_space<hbm>>
      %dma_start3A_187 = arith.constant 0 : i32
      %dma_start3A_188 = tpu.memref_slice %arg25[%scan3A_162, %dma_start3A_187] : memref<128x32xf32, #tpu.memory_space<vmem>> -> memref<1x32xf32, #tpu.memory_space<vmem>>
      %dma_start3A_189 = arith.constant 0 : i32
      %dma_start3A_190 = tpu.memref_slice %arg2[%get3A_182, %dma_start3A_189] : memref<1000000x32xf32, #tpu.memory_space<hbm>> -> memref<1x32xf32, #tpu.memory_space<hbm>>
      tpu.enqueue_dma source(%dma_start3A_190 : memref<1x32xf32, #tpu.memory_space<hbm>>) target(%dma_start3A_188 : memref<1x32xf32, #tpu.memory_space<vmem>>) target_semaphore(%arg30 : memref<!tpu.dma_semaphore, #tpu.memory_space<semaphore_mem>>)
      %get3A_191 = arith.index_cast %scan3A_162 : i32 to index
      %get3A_192 = memref.load %arg20[%get3A_191] : memref<128xi32, #tpu.memory_space<smem>>
      %dma_start3A_193 = arith.constant 0 : i32
      %dma_start3A_194 = tpu.memref_slice %arg26[%scan3A_162, %dma_start3A_193] : memref<128x32xf32, #tpu.memory_space<vmem>> -> memref<1x32xf32, #tpu.memory_space<vmem>>
      %dma_start3A_195 = arith.constant 0 : i32
      %dma_start3A_196 = tpu.memref_slice %arg2[%get3A_192, %dma_start3A_195] : memref<1000000x32xf32, #tpu.memory_space<hbm>> -> memref<1x32xf32, #tpu.memory_space<hbm>>
      %dma_start3A_197 = arith.constant 0 : i32
      %dma_start3A_198 = tpu.memref_slice %arg26[%scan3A_162, %dma_start3A_197] : memref<128x32xf32, #tpu.memory_space<vmem>> -> memref<1x32xf32, #tpu.memory_space<vmem>>
      %dma_start3A_199 = arith.constant 0 : i32
      %dma_start3A_200 = tpu.memref_slice %arg2[%get3A_192, %dma_start3A_199] : memref<1000000x32xf32, #tpu.memory_space<hbm>> -> memref<1x32xf32, #tpu.memory_space<hbm>>
      tpu.enqueue_dma source(%dma_start3A_200 : memref<1x32xf32, #tpu.memory_space<hbm>>) target(%dma_start3A_198 : memref<1x32xf32, #tpu.memory_space<vmem>>) target_semaphore(%arg30 : memref<!tpu.dma_semaphore, #tpu.memory_space<semaphore_mem>>)
      %get3A_201 = arith.index_cast %scan3A_162 : i32 to index
      %get3A_202 = memref.load %arg21[%get3A_201] : memref<128xi32, #tpu.memory_space<smem>>
      %dma_start3A_203 = arith.constant 0 : i32
      %dma_start3A_204 = tpu.memref_slice %arg27[%scan3A_162, %dma_start3A_203] : memref<128x32xf32, #tpu.memory_space<vmem>> -> memref<1x32xf32, #tpu.memory_space<vmem>>
      %dma_start3A_205 = arith.constant 0 : i32
      %dma_start3A_206 = tpu.memref_slice %arg3[%get3A_202, %dma_start3A_205] : memref<1000000x32xf32, #tpu.memory_space<hbm>> -> memref<1x32xf32, #tpu.memory_space<hbm>>
      %dma_start3A_207 = arith.constant 0 : i32
      %dma_start3A_208 = tpu.memref_slice %arg27[%scan3A_162, %dma_start3A_207] : memref<128x32xf32, #tpu.memory_space<vmem>> -> memref<1x32xf32, #tpu.memory_space<vmem>>
      %dma_start3A_209 = arith.constant 0 : i32
      %dma_start3A_210 = tpu.memref_slice %arg3[%get3A_202, %dma_start3A_209] : memref<1000000x32xf32, #tpu.memory_space<hbm>> -> memref<1x32xf32, #tpu.memory_space<hbm>>
      tpu.enqueue_dma source(%dma_start3A_210 : memref<1x32xf32, #tpu.memory_space<hbm>>) target(%dma_start3A_208 : memref<1x32xf32, #tpu.memory_space<vmem>>) target_semaphore(%arg30 : memref<!tpu.dma_semaphore, #tpu.memory_space<semaphore_mem>>)
      %get3A_211 = arith.index_cast %scan3A_162 : i32 to index
      %get3A_212 = memref.load %arg22[%get3A_211] : memref<128xi32, #tpu.memory_space<smem>>
      %dma_start3A_213 = arith.constant 0 : i32
      %dma_start3A_214 = tpu.memref_slice %arg28[%scan3A_162, %dma_start3A_213] : memref<128x32xf32, #tpu.memory_space<vmem>> -> memref<1x32xf32, #tpu.memory_space<vmem>>
      %dma_start3A_215 = arith.constant 0 : i32
      %dma_start3A_216 = tpu.memref_slice %arg2[%get3A_212, %dma_start3A_215] : memref<1000000x32xf32, #tpu.memory_space<hbm>> -> memref<1x32xf32, #tpu.memory_space<hbm>>
      %dma_start3A_217 = arith.constant 0 : i32
      %dma_start3A_218 = tpu.memref_slice %arg28[%scan3A_162, %dma_start3A_217] : memref<128x32xf32, #tpu.memory_space<vmem>> -> memref<1x32xf32, #tpu.memory_space<vmem>>
      %dma_start3A_219 = arith.constant 0 : i32
      %dma_start3A_220 = tpu.memref_slice %arg2[%get3A_212, %dma_start3A_219] : memref<1000000x32xf32, #tpu.memory_space<hbm>> -> memref<1x32xf32, #tpu.memory_space<hbm>>
      tpu.enqueue_dma source(%dma_start3A_220 : memref<1x32xf32, #tpu.memory_space<hbm>>) target(%dma_start3A_218 : memref<1x32xf32, #tpu.memory_space<vmem>>) target_semaphore(%arg30 : memref<!tpu.dma_semaphore, #tpu.memory_space<semaphore_mem>>)
    }
    %scan3A_44 = arith.constant 128 : i32
    tpu.wait_dma2 semaphore(%arg30 : memref<!tpu.dma_semaphore, #tpu.memory_space<semaphore_mem>>) src(%arg2 : memref<1000000x32xf32, #tpu.memory_space<hbm>>) dst(%arg23 : memref<128x32xf32, #tpu.memory_space<vmem>>)
    tpu.wait_dma2 semaphore(%arg30 : memref<!tpu.dma_semaphore, #tpu.memory_space<semaphore_mem>>) src(%arg3 : memref<1000000x32xf32, #tpu.memory_space<hbm>>) dst(%arg24 : memref<128x32xf32, #tpu.memory_space<vmem>>)
    tpu.wait_dma2 semaphore(%arg30 : memref<!tpu.dma_semaphore, #tpu.memory_space<semaphore_mem>>) src(%arg2 : memref<1000000x32xf32, #tpu.memory_space<hbm>>) dst(%arg25 : memref<128x32xf32, #tpu.memory_space<vmem>>)
    tpu.wait_dma2 semaphore(%arg30 : memref<!tpu.dma_semaphore, #tpu.memory_space<semaphore_mem>>) src(%arg2 : memref<1000000x32xf32, #tpu.memory_space<hbm>>) dst(%arg26 : memref<128x32xf32, #tpu.memory_space<vmem>>)
    tpu.wait_dma2 semaphore(%arg30 : memref<!tpu.dma_semaphore, #tpu.memory_space<semaphore_mem>>) src(%arg3 : memref<1000000x32xf32, #tpu.memory_space<hbm>>) dst(%arg27 : memref<128x32xf32, #tpu.memory_space<vmem>>)
    tpu.wait_dma2 semaphore(%arg30 : memref<!tpu.dma_semaphore, #tpu.memory_space<semaphore_mem>>) src(%arg2 : memref<1000000x32xf32, #tpu.memory_space<hbm>>) dst(%arg28 : memref<128x32xf32, #tpu.memory_space<vmem>>)
    %scan3A_45 = arith.constant 0 : i32
    %scan3A_46 = arith.constant 128 : i32
    %scan3A_47 = arith.addi %scan3A_45, %scan3A_46 : i32
    %scan3A_48 = arith.constant 1 : i32
    %scan3A_49 = scf.for %scan3A_162 = %scan3A_45 to %scan3A_47 step %scan3A_48 iter_args(%scan3A_163 = %broadcast_in_dim3A_15) -> (vector<16xf32>)  : i32 {
      %get3A = arith.index_cast %scan3A_162 : i32 to index
      %get3A_164 = arith.constant 0 : index
      %get3A_165 = tpu.vector_load %arg23[%get3A, %get3A_164] {strides = array<i32>} : memref<128x32xf32, #tpu.memory_space<vmem>>, vector<1x16xf32>,
      %get3A_166 = vector.shape_cast %get3A_165 : vector<1x16xf32> to vector<16xf32>
      %get3A_167 = arith.index_cast %scan3A_162 : i32 to index
      %get3A_168 = arith.constant 0 : index
      %get3A_169 = tpu.vector_load %arg24[%get3A_167, %get3A_168] {strides = array<i32>} : memref<128x32xf32, #tpu.memory_space<vmem>>, vector<1x16xf32>,
      %get3A_170 = vector.shape_cast %get3A_169 : vector<1x16xf32> to vector<16xf32>
      %add3A_171 = arith.addf %get3A_166, %get3A_170 : vector<16xf32>
      %get3A_172 = arith.index_cast %scan3A_162 : i32 to index
      %get3A_173 = arith.constant 0 : index
      %get3A_174 = tpu.vector_load %arg25[%get3A_172, %get3A_173] {strides = array<i32>} : memref<128x32xf32, #tpu.memory_space<vmem>>, vector<1x16xf32>,
      %get3A_175 = vector.shape_cast %get3A_174 : vector<1x16xf32> to vector<16xf32>
      %sub3A = arith.subf %add3A_171, %get3A_175 : vector<16xf32>
      %abs3A = math.absf %sub3A : vector<16xf32>
      %get3A_176 = arith.index_cast %scan3A_162 : i32 to index
      %get3A_177 = arith.constant 0 : index
      %get3A_178 = tpu.vector_load %arg26[%get3A_176, %get3A_177] {strides = array<i32>} : memref<128x32xf32, #tpu.memory_space<vmem>>, vector<1x16xf32>,
      %get3A_179 = vector.shape_cast %get3A_178 : vector<1x16xf32> to vector<16xf32>
      %get3A_180 = arith.index_cast %scan3A_162 : i32 to index
      %get3A_181 = arith.constant 0 : index
      %get3A_182 = tpu.vector_load %arg27[%get3A_180, %get3A_181] {strides = array<i32>} : memref<128x32xf32, #tpu.memory_space<vmem>>, vector<1x16xf32>,
      %get3A_183 = vector.shape_cast %get3A_182 : vector<1x16xf32> to vector<16xf32>
      %add3A_184 = arith.addf %get3A_179, %get3A_183 : vector<16xf32>
      %get3A_185 = arith.index_cast %scan3A_162 : i32 to index
      %get3A_186 = arith.constant 0 : index
      %get3A_187 = tpu.vector_load %arg28[%get3A_185, %get3A_186] {strides = array<i32>} : memref<128x32xf32, #tpu.memory_space<vmem>>, vector<1x16xf32>,
      %get3A_188 = vector.shape_cast %get3A_187 : vector<1x16xf32> to vector<16xf32>
      %sub3A_189 = arith.subf %add3A_184, %get3A_188 : vector<16xf32>
      %abs3A_190 = math.absf %sub3A_189 : vector<16xf32>
      %sub3A_191 = arith.subf %abs3A_190, %abs3A : vector<16xf32>
      %add3A_192 = arith.addf %scan3A_163, %sub3A_191 : vector<16xf32>
      %get3A_193 = arith.index_cast %scan3A_162 : i32 to index
      %get3A_194 = arith.constant 16 : index
      %get3A_195 = tpu.vector_load %arg23[%get3A_193, %get3A_194] {strides = array<i32>} : memref<128x32xf32, #tpu.memory_space<vmem>>, vector<1x16xf32>,
      %get3A_196 = vector.shape_cast %get3A_195 : vector<1x16xf32> to vector<16xf32>
      %get3A_197 = arith.index_cast %scan3A_162 : i32 to index
      %get3A_198 = arith.constant 16 : index
      %get3A_199 = tpu.vector_load %arg24[%get3A_197, %get3A_198] {strides = array<i32>} : memref<128x32xf32, #tpu.memory_space<vmem>>, vector<1x16xf32>,
      %get3A_200 = vector.shape_cast %get3A_199 : vector<1x16xf32> to vector<16xf32>
      %add3A_201 = arith.addf %get3A_196, %get3A_200 : vector<16xf32>
      %get3A_202 = arith.index_cast %scan3A_162 : i32 to index
      %get3A_203 = arith.constant 16 : index
      %get3A_204 = tpu.vector_load %arg25[%get3A_202, %get3A_203] {strides = array<i32>} : memref<128x32xf32, #tpu.memory_space<vmem>>, vector<1x16xf32>,
      %get3A_205 = vector.shape_cast %get3A_204 : vector<1x16xf32> to vector<16xf32>
      %sub3A_206 = arith.subf %add3A_201, %get3A_205 : vector<16xf32>
      %abs3A_207 = math.absf %sub3A_206 : vector<16xf32>
      %get3A_208 = arith.index_cast %scan3A_162 : i32 to index
      %get3A_209 = arith.constant 16 : index
      %get3A_210 = tpu.vector_load %arg26[%get3A_208, %get3A_209] {strides = array<i32>} : memref<128x32xf32, #tpu.memory_space<vmem>>, vector<1x16xf32>,
      %get3A_211 = vector.shape_cast %get3A_210 : vector<1x16xf32> to vector<16xf32>
      %get3A_212 = arith.index_cast %scan3A_162 : i32 to index
      %get3A_213 = arith.constant 16 : index
      %get3A_214 = tpu.vector_load %arg27[%get3A_212, %get3A_213] {strides = array<i32>} : memref<128x32xf32, #tpu.memory_space<vmem>>, vector<1x16xf32>,
      %get3A_215 = vector.shape_cast %get3A_214 : vector<1x16xf32> to vector<16xf32>
      %add3A_216 = arith.addf %get3A_211, %get3A_215 : vector<16xf32>
      %get3A_217 = arith.index_cast %scan3A_162 : i32 to index
      %get3A_218 = arith.constant 16 : index
      %get3A_219 = tpu.vector_load %arg28[%get3A_217, %get3A_218] {strides = array<i32>} : memref<128x32xf32, #tpu.memory_space<vmem>>, vector<1x16xf32>,
      %get3A_220 = vector.shape_cast %get3A_219 : vector<1x16xf32> to vector<16xf32>
      %sub3A_221 = arith.subf %add3A_216, %get3A_220 : vector<16xf32>
      %abs3A_222 = math.absf %sub3A_221 : vector<16xf32>
      %sub3A_223 = arith.subf %abs3A_222, %abs3A_207 : vector<16xf32>
      %add3A_224 = arith.addf %add3A_192, %sub3A_223 : vector<16xf32>
      scf.yield %add3A_224 : vector<16xf32>
    }
    %scan3A_50 = arith.constant 128 : i32
    %mul3A_51 = arith.constant 512 : i32
    %mul3A_52 = arith.muli %arg1, %mul3A_51 : i32
    %add3A_53 = arith.constant 128 : i32
    %add3A_54 = arith.addi %mul3A_52, %add3A_53 : i32
    "tpu.region"() ({
      %run_scoped3A = tpu.sem_alloc : memref<!tpu.dma_semaphore, #tpu.memory_space<semaphore_mem>>
      %dma_start3A = tpu.memref_slice %arg11[%add3A_54] : memref<8192xi32, #tpu.memory_space<vmem_shared>> -> memref<128xi32, #tpu.memory_space<vmem_shared>>
      tpu.enqueue_dma source(%dma_start3A : memref<128xi32, #tpu.memory_space<vmem_shared>>) target(%arg17 : memref<128xi32, #tpu.memory_space<smem>>) target_semaphore(%run_scoped3A : memref<!tpu.dma_semaphore, #tpu.memory_space<semaphore_mem>>)
      %dma_wait3A = tpu.memref_slice %arg11[%add3A_54] : memref<8192xi32, #tpu.memory_space<vmem_shared>> -> memref<128xi32, #tpu.memory_space<vmem_shared>>
      tpu.wait_dma2 semaphore(%run_scoped3A : memref<!tpu.dma_semaphore, #tpu.memory_space<semaphore_mem>>) src(%dma_wait3A : memref<128xi32, #tpu.memory_space<vmem_shared>>) dst(%arg17 : memref<128xi32, #tpu.memory_space<smem>>)
      tpu.yield
    }) : () -> ()
    %mul3A_55 = arith.constant 512 : i32
    %mul3A_56 = arith.muli %arg1, %mul3A_55 : i32
    %add3A_57 = arith.constant 128 : i32
    %add3A_58 = arith.addi %mul3A_56, %add3A_57 : i32
    "tpu.region"() ({
      %run_scoped3A = tpu.sem_alloc : memref<!tpu.dma_semaphore, #tpu.memory_space<semaphore_mem>>
      %dma_start3A = tpu.memref_slice %arg12[%add3A_58] : memref<8192xi32, #tpu.memory_space<vmem_shared>> -> memref<128xi32, #tpu.memory_space<vmem_shared>>
      tpu.enqueue_dma source(%dma_start3A : memref<128xi32, #tpu.memory_space<vmem_shared>>) target(%arg18 : memref<128xi32, #tpu.memory_space<smem>>) target_semaphore(%run_scoped3A : memref<!tpu.dma_semaphore, #tpu.memory_space<semaphore_mem>>)
      %dma_wait3A = tpu.memref_slice %arg12[%add3A_58] : memref<8192xi32, #tpu.memory_space<vmem_shared>> -> memref<128xi32, #tpu.memory_space<vmem_shared>>
      tpu.wait_dma2 semaphore(%run_scoped3A : memref<!tpu.dma_semaphore, #tpu.memory_space<semaphore_mem>>) src(%dma_wait3A : memref<128xi32, #tpu.memory_space<vmem_shared>>) dst(%arg18 : memref<128xi32, #tpu.memory_space<smem>>)
      tpu.yield
    }) : () -> ()
    %mul3A_59 = arith.constant 512 : i32
    %mul3A_60 = arith.muli %arg1, %mul3A_59 : i32
    %add3A_61 = arith.constant 128 : i32
    %add3A_62 = arith.addi %mul3A_60, %add3A_61 : i32
    "tpu.region"() ({
      %run_scoped3A = tpu.sem_alloc : memref<!tpu.dma_semaphore, #tpu.memory_space<semaphore_mem>>
      %dma_start3A = tpu.memref_slice %arg13[%add3A_62] : memref<8192xi32, #tpu.memory_space<vmem_shared>> -> memref<128xi32, #tpu.memory_space<vmem_shared>>
      tpu.enqueue_dma source(%dma_start3A : memref<128xi32, #tpu.memory_space<vmem_shared>>) target(%arg19 : memref<128xi32, #tpu.memory_space<smem>>) target_semaphore(%run_scoped3A : memref<!tpu.dma_semaphore, #tpu.memory_space<semaphore_mem>>)
      %dma_wait3A = tpu.memref_slice %arg13[%add3A_62] : memref<8192xi32, #tpu.memory_space<vmem_shared>> -> memref<128xi32, #tpu.memory_space<vmem_shared>>
      tpu.wait_dma2 semaphore(%run_scoped3A : memref<!tpu.dma_semaphore, #tpu.memory_space<semaphore_mem>>) src(%dma_wait3A : memref<128xi32, #tpu.memory_space<vmem_shared>>) dst(%arg19 : memref<128xi32, #tpu.memory_space<smem>>)
      tpu.yield
    }) : () -> ()
    %mul3A_63 = arith.constant 512 : i32
    %mul3A_64 = arith.muli %arg1, %mul3A_63 : i32
    %add3A_65 = arith.constant 128 : i32
    %add3A_66 = arith.addi %mul3A_64, %add3A_65 : i32
    "tpu.region"() ({
      %run_scoped3A = tpu.sem_alloc : memref<!tpu.dma_semaphore, #tpu.memory_space<semaphore_mem>>
      %dma_start3A = tpu.memref_slice %arg14[%add3A_66] : memref<8192xi32, #tpu.memory_space<vmem_shared>> -> memref<128xi32, #tpu.memory_space<vmem_shared>>
      tpu.enqueue_dma source(%dma_start3A : memref<128xi32, #tpu.memory_space<vmem_shared>>) target(%arg20 : memref<128xi32, #tpu.memory_space<smem>>) target_semaphore(%run_scoped3A : memref<!tpu.dma_semaphore, #tpu.memory_space<semaphore_mem>>)
      %dma_wait3A = tpu.memref_slice %arg14[%add3A_66] : memref<8192xi32, #tpu.memory_space<vmem_shared>> -> memref<128xi32, #tpu.memory_space<vmem_shared>>
      tpu.wait_dma2 semaphore(%run_scoped3A : memref<!tpu.dma_semaphore, #tpu.memory_space<semaphore_mem>>) src(%dma_wait3A : memref<128xi32, #tpu.memory_space<vmem_shared>>) dst(%arg20 : memref<128xi32, #tpu.memory_space<smem>>)
      tpu.yield
    }) : () -> ()
    %mul3A_67 = arith.constant 512 : i32
    %mul3A_68 = arith.muli %arg1, %mul3A_67 : i32
    %add3A_69 = arith.constant 128 : i32
    %add3A_70 = arith.addi %mul3A_68, %add3A_69 : i32
    "tpu.region"() ({
      %run_scoped3A = tpu.sem_alloc : memref<!tpu.dma_semaphore, #tpu.memory_space<semaphore_mem>>
      %dma_start3A = tpu.memref_slice %arg15[%add3A_70] : memref<8192xi32, #tpu.memory_space<vmem_shared>> -> memref<128xi32, #tpu.memory_space<vmem_shared>>
      tpu.enqueue_dma source(%dma_start3A : memref<128xi32, #tpu.memory_space<vmem_shared>>) target(%arg21 : memref<128xi32, #tpu.memory_space<smem>>) target_semaphore(%run_scoped3A : memref<!tpu.dma_semaphore, #tpu.memory_space<semaphore_mem>>)
      %dma_wait3A = tpu.memref_slice %arg15[%add3A_70] : memref<8192xi32, #tpu.memory_space<vmem_shared>> -> memref<128xi32, #tpu.memory_space<vmem_shared>>
      tpu.wait_dma2 semaphore(%run_scoped3A : memref<!tpu.dma_semaphore, #tpu.memory_space<semaphore_mem>>) src(%dma_wait3A : memref<128xi32, #tpu.memory_space<vmem_shared>>) dst(%arg21 : memref<128xi32, #tpu.memory_space<smem>>)
      tpu.yield
    }) : () -> ()
    %mul3A_71 = arith.constant 512 : i32
    %mul3A_72 = arith.muli %arg1, %mul3A_71 : i32
    %add3A_73 = arith.constant 128 : i32
    %add3A_74 = arith.addi %mul3A_72, %add3A_73 : i32
    "tpu.region"() ({
      %run_scoped3A = tpu.sem_alloc : memref<!tpu.dma_semaphore, #tpu.memory_space<semaphore_mem>>
      %dma_start3A = tpu.memref_slice %arg16[%add3A_74] : memref<8192xi32, #tpu.memory_space<vmem_shared>> -> memref<128xi32, #tpu.memory_space<vmem_shared>>
      tpu.enqueue_dma source(%dma_start3A : memref<128xi32, #tpu.memory_space<vmem_shared>>) target(%arg22 : memref<128xi32, #tpu.memory_space<smem>>) target_semaphore(%run_scoped3A : memref<!tpu.dma_semaphore, #tpu.memory_space<semaphore_mem>>)
      %dma_wait3A = tpu.memref_slice %arg16[%add3A_74] : memref<8192xi32, #tpu.memory_space<vmem_shared>> -> memref<128xi32, #tpu.memory_space<vmem_shared>>
      tpu.wait_dma2 semaphore(%run_scoped3A : memref<!tpu.dma_semaphore, #tpu.memory_space<semaphore_mem>>) src(%dma_wait3A : memref<128xi32, #tpu.memory_space<vmem_shared>>) dst(%arg22 : memref<128xi32, #tpu.memory_space<smem>>)
      tpu.yield
    }) : () -> ()
    %scan3A_75 = arith.constant 0 : i32
    %scan3A_76 = arith.constant 0 : i32
    %scan3A_77 = arith.constant 128 : i32
    %scan3A_78 = arith.addi %scan3A_76, %scan3A_77 : i32
    %scan3A_79 = arith.constant 1 : i32
    scf.for %scan3A_162 = %scan3A_76 to %scan3A_78 step %scan3A_79  : i32 {
      %get3A = arith.index_cast %scan3A_162 : i32 to index
      %get3A_163 = memref.load %arg17[%get3A] : memref<128xi32, #tpu.memory_space<smem>>
      %dma_start3A = arith.constant 0 : i32
      %dma_start3A_164 = tpu.memref_slice %arg23[%scan3A_162, %dma_start3A] : memref<128x32xf32, #tpu.memory_space<vmem>> -> memref<1x32xf32, #tpu.memory_space<vmem>>
      %dma_start3A_165 = arith.constant 0 : i32
      %dma_start3A_166 = tpu.memref_slice %arg2[%get3A_163, %dma_start3A_165] : memref<1000000x32xf32, #tpu.memory_space<hbm>> -> memref<1x32xf32, #tpu.memory_space<hbm>>
      %dma_start3A_167 = arith.constant 0 : i32
      %dma_start3A_168 = tpu.memref_slice %arg23[%scan3A_162, %dma_start3A_167] : memref<128x32xf32, #tpu.memory_space<vmem>> -> memref<1x32xf32, #tpu.memory_space<vmem>>
      %dma_start3A_169 = arith.constant 0 : i32
      %dma_start3A_170 = tpu.memref_slice %arg2[%get3A_163, %dma_start3A_169] : memref<1000000x32xf32, #tpu.memory_space<hbm>> -> memref<1x32xf32, #tpu.memory_space<hbm>>
      tpu.enqueue_dma source(%dma_start3A_170 : memref<1x32xf32, #tpu.memory_space<hbm>>) target(%dma_start3A_168 : memref<1x32xf32, #tpu.memory_space<vmem>>) target_semaphore(%arg30 : memref<!tpu.dma_semaphore, #tpu.memory_space<semaphore_mem>>)
      %get3A_171 = arith.index_cast %scan3A_162 : i32 to index
      %get3A_172 = memref.load %arg18[%get3A_171] : memref<128xi32, #tpu.memory_space<smem>>
      %dma_start3A_173 = arith.constant 0 : i32
      %dma_start3A_174 = tpu.memref_slice %arg24[%scan3A_162, %dma_start3A_173] : memref<128x32xf32, #tpu.memory_space<vmem>> -> memref<1x32xf32, #tpu.memory_space<vmem>>
      %dma_start3A_175 = arith.constant 0 : i32
      %dma_start3A_176 = tpu.memref_slice %arg3[%get3A_172, %dma_start3A_175] : memref<1000000x32xf32, #tpu.memory_space<hbm>> -> memref<1x32xf32, #tpu.memory_space<hbm>>
      %dma_start3A_177 = arith.constant 0 : i32
      %dma_start3A_178 = tpu.memref_slice %arg24[%scan3A_162, %dma_start3A_177] : memref<128x32xf32, #tpu.memory_space<vmem>> -> memref<1x32xf32, #tpu.memory_space<vmem>>
      %dma_start3A_179 = arith.constant 0 : i32
      %dma_start3A_180 = tpu.memref_slice %arg3[%get3A_172, %dma_start3A_179] : memref<1000000x32xf32, #tpu.memory_space<hbm>> -> memref<1x32xf32, #tpu.memory_space<hbm>>
      tpu.enqueue_dma source(%dma_start3A_180 : memref<1x32xf32, #tpu.memory_space<hbm>>) target(%dma_start3A_178 : memref<1x32xf32, #tpu.memory_space<vmem>>) target_semaphore(%arg30 : memref<!tpu.dma_semaphore, #tpu.memory_space<semaphore_mem>>)
      %get3A_181 = arith.index_cast %scan3A_162 : i32 to index
      %get3A_182 = memref.load %arg19[%get3A_181] : memref<128xi32, #tpu.memory_space<smem>>
      %dma_start3A_183 = arith.constant 0 : i32
      %dma_start3A_184 = tpu.memref_slice %arg25[%scan3A_162, %dma_start3A_183] : memref<128x32xf32, #tpu.memory_space<vmem>> -> memref<1x32xf32, #tpu.memory_space<vmem>>
      %dma_start3A_185 = arith.constant 0 : i32
      %dma_start3A_186 = tpu.memref_slice %arg2[%get3A_182, %dma_start3A_185] : memref<1000000x32xf32, #tpu.memory_space<hbm>> -> memref<1x32xf32, #tpu.memory_space<hbm>>
      %dma_start3A_187 = arith.constant 0 : i32
      %dma_start3A_188 = tpu.memref_slice %arg25[%scan3A_162, %dma_start3A_187] : memref<128x32xf32, #tpu.memory_space<vmem>> -> memref<1x32xf32, #tpu.memory_space<vmem>>
      %dma_start3A_189 = arith.constant 0 : i32
      %dma_start3A_190 = tpu.memref_slice %arg2[%get3A_182, %dma_start3A_189] : memref<1000000x32xf32, #tpu.memory_space<hbm>> -> memref<1x32xf32, #tpu.memory_space<hbm>>
      tpu.enqueue_dma source(%dma_start3A_190 : memref<1x32xf32, #tpu.memory_space<hbm>>) target(%dma_start3A_188 : memref<1x32xf32, #tpu.memory_space<vmem>>) target_semaphore(%arg30 : memref<!tpu.dma_semaphore, #tpu.memory_space<semaphore_mem>>)
      %get3A_191 = arith.index_cast %scan3A_162 : i32 to index
      %get3A_192 = memref.load %arg20[%get3A_191] : memref<128xi32, #tpu.memory_space<smem>>
      %dma_start3A_193 = arith.constant 0 : i32
      %dma_start3A_194 = tpu.memref_slice %arg26[%scan3A_162, %dma_start3A_193] : memref<128x32xf32, #tpu.memory_space<vmem>> -> memref<1x32xf32, #tpu.memory_space<vmem>>
      %dma_start3A_195 = arith.constant 0 : i32
      %dma_start3A_196 = tpu.memref_slice %arg2[%get3A_192, %dma_start3A_195] : memref<1000000x32xf32, #tpu.memory_space<hbm>> -> memref<1x32xf32, #tpu.memory_space<hbm>>
      %dma_start3A_197 = arith.constant 0 : i32
      %dma_start3A_198 = tpu.memref_slice %arg26[%scan3A_162, %dma_start3A_197] : memref<128x32xf32, #tpu.memory_space<vmem>> -> memref<1x32xf32, #tpu.memory_space<vmem>>
      %dma_start3A_199 = arith.constant 0 : i32
      %dma_start3A_200 = tpu.memref_slice %arg2[%get3A_192, %dma_start3A_199] : memref<1000000x32xf32, #tpu.memory_space<hbm>> -> memref<1x32xf32, #tpu.memory_space<hbm>>
      tpu.enqueue_dma source(%dma_start3A_200 : memref<1x32xf32, #tpu.memory_space<hbm>>) target(%dma_start3A_198 : memref<1x32xf32, #tpu.memory_space<vmem>>) target_semaphore(%arg30 : memref<!tpu.dma_semaphore, #tpu.memory_space<semaphore_mem>>)
      %get3A_201 = arith.index_cast %scan3A_162 : i32 to index
      %get3A_202 = memref.load %arg21[%get3A_201] : memref<128xi32, #tpu.memory_space<smem>>
      %dma_start3A_203 = arith.constant 0 : i32
      %dma_start3A_204 = tpu.memref_slice %arg27[%scan3A_162, %dma_start3A_203] : memref<128x32xf32, #tpu.memory_space<vmem>> -> memref<1x32xf32, #tpu.memory_space<vmem>>
      %dma_start3A_205 = arith.constant 0 : i32
      %dma_start3A_206 = tpu.memref_slice %arg3[%get3A_202, %dma_start3A_205] : memref<1000000x32xf32, #tpu.memory_space<hbm>> -> memref<1x32xf32, #tpu.memory_space<hbm>>
      %dma_start3A_207 = arith.constant 0 : i32
      %dma_start3A_208 = tpu.memref_slice %arg27[%scan3A_162, %dma_start3A_207] : memref<128x32xf32, #tpu.memory_space<vmem>> -> memref<1x32xf32, #tpu.memory_space<vmem>>
      %dma_start3A_209 = arith.constant 0 : i32
      %dma_start3A_210 = tpu.memref_slice %arg3[%get3A_202, %dma_start3A_209] : memref<1000000x32xf32, #tpu.memory_space<hbm>> -> memref<1x32xf32, #tpu.memory_space<hbm>>
      tpu.enqueue_dma source(%dma_start3A_210 : memref<1x32xf32, #tpu.memory_space<hbm>>) target(%dma_start3A_208 : memref<1x32xf32, #tpu.memory_space<vmem>>) target_semaphore(%arg30 : memref<!tpu.dma_semaphore, #tpu.memory_space<semaphore_mem>>)
      %get3A_211 = arith.index_cast %scan3A_162 : i32 to index
      %get3A_212 = memref.load %arg22[%get3A_211] : memref<128xi32, #tpu.memory_space<smem>>
      %dma_start3A_213 = arith.constant 0 : i32
      %dma_start3A_214 = tpu.memref_slice %arg28[%scan3A_162, %dma_start3A_213] : memref<128x32xf32, #tpu.memory_space<vmem>> -> memref<1x32xf32, #tpu.memory_space<vmem>>
      %dma_start3A_215 = arith.constant 0 : i32
      %dma_start3A_216 = tpu.memref_slice %arg2[%get3A_212, %dma_start3A_215] : memref<1000000x32xf32, #tpu.memory_space<hbm>> -> memref<1x32xf32, #tpu.memory_space<hbm>>
      %dma_start3A_217 = arith.constant 0 : i32
      %dma_start3A_218 = tpu.memref_slice %arg28[%scan3A_162, %dma_start3A_217] : memref<128x32xf32, #tpu.memory_space<vmem>> -> memref<1x32xf32, #tpu.memory_space<vmem>>
      %dma_start3A_219 = arith.constant 0 : i32
      %dma_start3A_220 = tpu.memref_slice %arg2[%get3A_212, %dma_start3A_219] : memref<1000000x32xf32, #tpu.memory_space<hbm>> -> memref<1x32xf32, #tpu.memory_space<hbm>>
      tpu.enqueue_dma source(%dma_start3A_220 : memref<1x32xf32, #tpu.memory_space<hbm>>) target(%dma_start3A_218 : memref<1x32xf32, #tpu.memory_space<vmem>>) target_semaphore(%arg30 : memref<!tpu.dma_semaphore, #tpu.memory_space<semaphore_mem>>)
    }
    %scan3A_80 = arith.constant 128 : i32
    tpu.wait_dma2 semaphore(%arg30 : memref<!tpu.dma_semaphore, #tpu.memory_space<semaphore_mem>>) src(%arg2 : memref<1000000x32xf32, #tpu.memory_space<hbm>>) dst(%arg23 : memref<128x32xf32, #tpu.memory_space<vmem>>)
    tpu.wait_dma2 semaphore(%arg30 : memref<!tpu.dma_semaphore, #tpu.memory_space<semaphore_mem>>) src(%arg3 : memref<1000000x32xf32, #tpu.memory_space<hbm>>) dst(%arg24 : memref<128x32xf32, #tpu.memory_space<vmem>>)
    tpu.wait_dma2 semaphore(%arg30 : memref<!tpu.dma_semaphore, #tpu.memory_space<semaphore_mem>>) src(%arg2 : memref<1000000x32xf32, #tpu.memory_space<hbm>>) dst(%arg25 : memref<128x32xf32, #tpu.memory_space<vmem>>)
    tpu.wait_dma2 semaphore(%arg30 : memref<!tpu.dma_semaphore, #tpu.memory_space<semaphore_mem>>) src(%arg2 : memref<1000000x32xf32, #tpu.memory_space<hbm>>) dst(%arg26 : memref<128x32xf32, #tpu.memory_space<vmem>>)
    tpu.wait_dma2 semaphore(%arg30 : memref<!tpu.dma_semaphore, #tpu.memory_space<semaphore_mem>>) src(%arg3 : memref<1000000x32xf32, #tpu.memory_space<hbm>>) dst(%arg27 : memref<128x32xf32, #tpu.memory_space<vmem>>)
    tpu.wait_dma2 semaphore(%arg30 : memref<!tpu.dma_semaphore, #tpu.memory_space<semaphore_mem>>) src(%arg2 : memref<1000000x32xf32, #tpu.memory_space<hbm>>) dst(%arg28 : memref<128x32xf32, #tpu.memory_space<vmem>>)
    %scan3A_81 = arith.constant 0 : i32
    %scan3A_82 = arith.constant 128 : i32
    %scan3A_83 = arith.addi %scan3A_81, %scan3A_82 : i32
    %scan3A_84 = arith.constant 1 : i32
    %scan3A_85 = scf.for %scan3A_162 = %scan3A_81 to %scan3A_83 step %scan3A_84 iter_args(%scan3A_163 = %scan3A_49) -> (vector<16xf32>)  : i32 {
      %get3A = arith.index_cast %scan3A_162 : i32 to index
      %get3A_164 = arith.constant 0 : index
      %get3A_165 = tpu.vector_load %arg23[%get3A, %get3A_164] {strides = array<i32>} : memref<128x32xf32, #tpu.memory_space<vmem>>, vector<1x16xf32>,
      %get3A_166 = vector.shape_cast %get3A_165 : vector<1x16xf32> to vector<16xf32>
      %get3A_167 = arith.index_cast %scan3A_162 : i32 to index
      %get3A_168 = arith.constant 0 : index
      %get3A_169 = tpu.vector_load %arg24[%get3A_167, %get3A_168] {strides = array<i32>} : memref<128x32xf32, #tpu.memory_space<vmem>>, vector<1x16xf32>,
      %get3A_170 = vector.shape_cast %get3A_169 : vector<1x16xf32> to vector<16xf32>
      %add3A_171 = arith.addf %get3A_166, %get3A_170 : vector<16xf32>
      %get3A_172 = arith.index_cast %scan3A_162 : i32 to index
      %get3A_173 = arith.constant 0 : index
      %get3A_174 = tpu.vector_load %arg25[%get3A_172, %get3A_173] {strides = array<i32>} : memref<128x32xf32, #tpu.memory_space<vmem>>, vector<1x16xf32>,
      %get3A_175 = vector.shape_cast %get3A_174 : vector<1x16xf32> to vector<16xf32>
      %sub3A = arith.subf %add3A_171, %get3A_175 : vector<16xf32>
      %abs3A = math.absf %sub3A : vector<16xf32>
      %get3A_176 = arith.index_cast %scan3A_162 : i32 to index
      %get3A_177 = arith.constant 0 : index
      %get3A_178 = tpu.vector_load %arg26[%get3A_176, %get3A_177] {strides = array<i32>} : memref<128x32xf32, #tpu.memory_space<vmem>>, vector<1x16xf32>,
      %get3A_179 = vector.shape_cast %get3A_178 : vector<1x16xf32> to vector<16xf32>
      %get3A_180 = arith.index_cast %scan3A_162 : i32 to index
      %get3A_181 = arith.constant 0 : index
      %get3A_182 = tpu.vector_load %arg27[%get3A_180, %get3A_181] {strides = array<i32>} : memref<128x32xf32, #tpu.memory_space<vmem>>, vector<1x16xf32>,
      %get3A_183 = vector.shape_cast %get3A_182 : vector<1x16xf32> to vector<16xf32>
      %add3A_184 = arith.addf %get3A_179, %get3A_183 : vector<16xf32>
      %get3A_185 = arith.index_cast %scan3A_162 : i32 to index
      %get3A_186 = arith.constant 0 : index
      %get3A_187 = tpu.vector_load %arg28[%get3A_185, %get3A_186] {strides = array<i32>} : memref<128x32xf32, #tpu.memory_space<vmem>>, vector<1x16xf32>,
      %get3A_188 = vector.shape_cast %get3A_187 : vector<1x16xf32> to vector<16xf32>
      %sub3A_189 = arith.subf %add3A_184, %get3A_188 : vector<16xf32>
      %abs3A_190 = math.absf %sub3A_189 : vector<16xf32>
      %sub3A_191 = arith.subf %abs3A_190, %abs3A : vector<16xf32>
      %add3A_192 = arith.addf %scan3A_163, %sub3A_191 : vector<16xf32>
      %get3A_193 = arith.index_cast %scan3A_162 : i32 to index
      %get3A_194 = arith.constant 16 : index
      %get3A_195 = tpu.vector_load %arg23[%get3A_193, %get3A_194] {strides = array<i32>} : memref<128x32xf32, #tpu.memory_space<vmem>>, vector<1x16xf32>,
      %get3A_196 = vector.shape_cast %get3A_195 : vector<1x16xf32> to vector<16xf32>
      %get3A_197 = arith.index_cast %scan3A_162 : i32 to index
      %get3A_198 = arith.constant 16 : index
      %get3A_199 = tpu.vector_load %arg24[%get3A_197, %get3A_198] {strides = array<i32>} : memref<128x32xf32, #tpu.memory_space<vmem>>, vector<1x16xf32>,
      %get3A_200 = vector.shape_cast %get3A_199 : vector<1x16xf32> to vector<16xf32>
      %add3A_201 = arith.addf %get3A_196, %get3A_200 : vector<16xf32>
      %get3A_202 = arith.index_cast %scan3A_162 : i32 to index
      %get3A_203 = arith.constant 16 : index
      %get3A_204 = tpu.vector_load %arg25[%get3A_202, %get3A_203] {strides = array<i32>} : memref<128x32xf32, #tpu.memory_space<vmem>>, vector<1x16xf32>,
      %get3A_205 = vector.shape_cast %get3A_204 : vector<1x16xf32> to vector<16xf32>
      %sub3A_206 = arith.subf %add3A_201, %get3A_205 : vector<16xf32>
      %abs3A_207 = math.absf %sub3A_206 : vector<16xf32>
      %get3A_208 = arith.index_cast %scan3A_162 : i32 to index
      %get3A_209 = arith.constant 16 : index
      %get3A_210 = tpu.vector_load %arg26[%get3A_208, %get3A_209] {strides = array<i32>} : memref<128x32xf32, #tpu.memory_space<vmem>>, vector<1x16xf32>,
      %get3A_211 = vector.shape_cast %get3A_210 : vector<1x16xf32> to vector<16xf32>
      %get3A_212 = arith.index_cast %scan3A_162 : i32 to index
      %get3A_213 = arith.constant 16 : index
      %get3A_214 = tpu.vector_load %arg27[%get3A_212, %get3A_213] {strides = array<i32>} : memref<128x32xf32, #tpu.memory_space<vmem>>, vector<1x16xf32>,
      %get3A_215 = vector.shape_cast %get3A_214 : vector<1x16xf32> to vector<16xf32>
      %add3A_216 = arith.addf %get3A_211, %get3A_215 : vector<16xf32>
      %get3A_217 = arith.index_cast %scan3A_162 : i32 to index
      %get3A_218 = arith.constant 16 : index
      %get3A_219 = tpu.vector_load %arg28[%get3A_217, %get3A_218] {strides = array<i32>} : memref<128x32xf32, #tpu.memory_space<vmem>>, vector<1x16xf32>,
      %get3A_220 = vector.shape_cast %get3A_219 : vector<1x16xf32> to vector<16xf32>
      %sub3A_221 = arith.subf %add3A_216, %get3A_220 : vector<16xf32>
      %abs3A_222 = math.absf %sub3A_221 : vector<16xf32>
      %sub3A_223 = arith.subf %abs3A_222, %abs3A_207 : vector<16xf32>
      %add3A_224 = arith.addf %add3A_192, %sub3A_223 : vector<16xf32>
      scf.yield %add3A_224 : vector<16xf32>
    }
    %scan3A_86 = arith.constant 128 : i32
    %mul3A_87 = arith.constant 512 : i32
    %mul3A_88 = arith.muli %arg1, %mul3A_87 : i32
    %add3A_89 = arith.constant 256 : i32
    %add3A_90 = arith.addi %mul3A_88, %add3A_89 : i32
    "tpu.region"() ({
      %run_scoped3A = tpu.sem_alloc : memref<!tpu.dma_semaphore, #tpu.memory_space<semaphore_mem>>
      %dma_start3A = tpu.memref_slice %arg11[%add3A_90] : memref<8192xi32, #tpu.memory_space<vmem_shared>> -> memref<128xi32, #tpu.memory_space<vmem_shared>>
      tpu.enqueue_dma source(%dma_start3A : memref<128xi32, #tpu.memory_space<vmem_shared>>) target(%arg17 : memref<128xi32, #tpu.memory_space<smem>>) target_semaphore(%run_scoped3A : memref<!tpu.dma_semaphore, #tpu.memory_space<semaphore_mem>>)
      %dma_wait3A = tpu.memref_slice %arg11[%add3A_90] : memref<8192xi32, #tpu.memory_space<vmem_shared>> -> memref<128xi32, #tpu.memory_space<vmem_shared>>
      tpu.wait_dma2 semaphore(%run_scoped3A : memref<!tpu.dma_semaphore, #tpu.memory_space<semaphore_mem>>) src(%dma_wait3A : memref<128xi32, #tpu.memory_space<vmem_shared>>) dst(%arg17 : memref<128xi32, #tpu.memory_space<smem>>)
      tpu.yield
    }) : () -> ()
    %mul3A_91 = arith.constant 512 : i32
    %mul3A_92 = arith.muli %arg1, %mul3A_91 : i32
    %add3A_93 = arith.constant 256 : i32
    %add3A_94 = arith.addi %mul3A_92, %add3A_93 : i32
    "tpu.region"() ({
      %run_scoped3A = tpu.sem_alloc : memref<!tpu.dma_semaphore, #tpu.memory_space<semaphore_mem>>
      %dma_start3A = tpu.memref_slice %arg12[%add3A_94] : memref<8192xi32, #tpu.memory_space<vmem_shared>> -> memref<128xi32, #tpu.memory_space<vmem_shared>>
      tpu.enqueue_dma source(%dma_start3A : memref<128xi32, #tpu.memory_space<vmem_shared>>) target(%arg18 : memref<128xi32, #tpu.memory_space<smem>>) target_semaphore(%run_scoped3A : memref<!tpu.dma_semaphore, #tpu.memory_space<semaphore_mem>>)
      %dma_wait3A = tpu.memref_slice %arg12[%add3A_94] : memref<8192xi32, #tpu.memory_space<vmem_shared>> -> memref<128xi32, #tpu.memory_space<vmem_shared>>
      tpu.wait_dma2 semaphore(%run_scoped3A : memref<!tpu.dma_semaphore, #tpu.memory_space<semaphore_mem>>) src(%dma_wait3A : memref<128xi32, #tpu.memory_space<vmem_shared>>) dst(%arg18 : memref<128xi32, #tpu.memory_space<smem>>)
      tpu.yield
    }) : () -> ()
    %mul3A_95 = arith.constant 512 : i32
    %mul3A_96 = arith.muli %arg1, %mul3A_95 : i32
    %add3A_97 = arith.constant 256 : i32
    %add3A_98 = arith.addi %mul3A_96, %add3A_97 : i32
    "tpu.region"() ({
      %run_scoped3A = tpu.sem_alloc : memref<!tpu.dma_semaphore, #tpu.memory_space<semaphore_mem>>
      %dma_start3A = tpu.memref_slice %arg13[%add3A_98] : memref<8192xi32, #tpu.memory_space<vmem_shared>> -> memref<128xi32, #tpu.memory_space<vmem_shared>>
      tpu.enqueue_dma source(%dma_start3A : memref<128xi32, #tpu.memory_space<vmem_shared>>) target(%arg19 : memref<128xi32, #tpu.memory_space<smem>>) target_semaphore(%run_scoped3A : memref<!tpu.dma_semaphore, #tpu.memory_space<semaphore_mem>>)
      %dma_wait3A = tpu.memref_slice %arg13[%add3A_98] : memref<8192xi32, #tpu.memory_space<vmem_shared>> -> memref<128xi32, #tpu.memory_space<vmem_shared>>
      tpu.wait_dma2 semaphore(%run_scoped3A : memref<!tpu.dma_semaphore, #tpu.memory_space<semaphore_mem>>) src(%dma_wait3A : memref<128xi32, #tpu.memory_space<vmem_shared>>) dst(%arg19 : memref<128xi32, #tpu.memory_space<smem>>)
      tpu.yield
    }) : () -> ()
    %mul3A_99 = arith.constant 512 : i32
    %mul3A_100 = arith.muli %arg1, %mul3A_99 : i32
    %add3A_101 = arith.constant 256 : i32
    %add3A_102 = arith.addi %mul3A_100, %add3A_101 : i32
    "tpu.region"() ({
      %run_scoped3A = tpu.sem_alloc : memref<!tpu.dma_semaphore, #tpu.memory_space<semaphore_mem>>
      %dma_start3A = tpu.memref_slice %arg14[%add3A_102] : memref<8192xi32, #tpu.memory_space<vmem_shared>> -> memref<128xi32, #tpu.memory_space<vmem_shared>>
      tpu.enqueue_dma source(%dma_start3A : memref<128xi32, #tpu.memory_space<vmem_shared>>) target(%arg20 : memref<128xi32, #tpu.memory_space<smem>>) target_semaphore(%run_scoped3A : memref<!tpu.dma_semaphore, #tpu.memory_space<semaphore_mem>>)
      %dma_wait3A = tpu.memref_slice %arg14[%add3A_102] : memref<8192xi32, #tpu.memory_space<vmem_shared>> -> memref<128xi32, #tpu.memory_space<vmem_shared>>
      tpu.wait_dma2 semaphore(%run_scoped3A : memref<!tpu.dma_semaphore, #tpu.memory_space<semaphore_mem>>) src(%dma_wait3A : memref<128xi32, #tpu.memory_space<vmem_shared>>) dst(%arg20 : memref<128xi32, #tpu.memory_space<smem>>)
      tpu.yield
    }) : () -> ()
    %mul3A_103 = arith.constant 512 : i32
    %mul3A_104 = arith.muli %arg1, %mul3A_103 : i32
    %add3A_105 = arith.constant 256 : i32
    %add3A_106 = arith.addi %mul3A_104, %add3A_105 : i32
    "tpu.region"() ({
      %run_scoped3A = tpu.sem_alloc : memref<!tpu.dma_semaphore, #tpu.memory_space<semaphore_mem>>
      %dma_start3A = tpu.memref_slice %arg15[%add3A_106] : memref<8192xi32, #tpu.memory_space<vmem_shared>> -> memref<128xi32, #tpu.memory_space<vmem_shared>>
      tpu.enqueue_dma source(%dma_start3A : memref<128xi32, #tpu.memory_space<vmem_shared>>) target(%arg21 : memref<128xi32, #tpu.memory_space<smem>>) target_semaphore(%run_scoped3A : memref<!tpu.dma_semaphore, #tpu.memory_space<semaphore_mem>>)
      %dma_wait3A = tpu.memref_slice %arg15[%add3A_106] : memref<8192xi32, #tpu.memory_space<vmem_shared>> -> memref<128xi32, #tpu.memory_space<vmem_shared>>
      tpu.wait_dma2 semaphore(%run_scoped3A : memref<!tpu.dma_semaphore, #tpu.memory_space<semaphore_mem>>) src(%dma_wait3A : memref<128xi32, #tpu.memory_space<vmem_shared>>) dst(%arg21 : memref<128xi32, #tpu.memory_space<smem>>)
      tpu.yield
    }) : () -> ()
    %mul3A_107 = arith.constant 512 : i32
    %mul3A_108 = arith.muli %arg1, %mul3A_107 : i32
    %add3A_109 = arith.constant 256 : i32
    %add3A_110 = arith.addi %mul3A_108, %add3A_109 : i32
    "tpu.region"() ({
      %run_scoped3A = tpu.sem_alloc : memref<!tpu.dma_semaphore, #tpu.memory_space<semaphore_mem>>
      %dma_start3A = tpu.memref_slice %arg16[%add3A_110] : memref<8192xi32, #tpu.memory_space<vmem_shared>> -> memref<128xi32, #tpu.memory_space<vmem_shared>>
      tpu.enqueue_dma source(%dma_start3A : memref<128xi32, #tpu.memory_space<vmem_shared>>) target(%arg22 : memref<128xi32, #tpu.memory_space<smem>>) target_semaphore(%run_scoped3A : memref<!tpu.dma_semaphore, #tpu.memory_space<semaphore_mem>>)
      %dma_wait3A = tpu.memref_slice %arg16[%add3A_110] : memref<8192xi32, #tpu.memory_space<vmem_shared>> -> memref<128xi32, #tpu.memory_space<vmem_shared>>
      tpu.wait_dma2 semaphore(%run_scoped3A : memref<!tpu.dma_semaphore, #tpu.memory_space<semaphore_mem>>) src(%dma_wait3A : memref<128xi32, #tpu.memory_space<vmem_shared>>) dst(%arg22 : memref<128xi32, #tpu.memory_space<smem>>)
      tpu.yield
    }) : () -> ()
    %scan3A_111 = arith.constant 0 : i32
    %scan3A_112 = arith.constant 0 : i32
    %scan3A_113 = arith.constant 128 : i32
    %scan3A_114 = arith.addi %scan3A_112, %scan3A_113 : i32
    %scan3A_115 = arith.constant 1 : i32
    scf.for %scan3A_162 = %scan3A_112 to %scan3A_114 step %scan3A_115  : i32 {
      %get3A = arith.index_cast %scan3A_162 : i32 to index
      %get3A_163 = memref.load %arg17[%get3A] : memref<128xi32, #tpu.memory_space<smem>>
      %dma_start3A = arith.constant 0 : i32
      %dma_start3A_164 = tpu.memref_slice %arg23[%scan3A_162, %dma_start3A] : memref<128x32xf32, #tpu.memory_space<vmem>> -> memref<1x32xf32, #tpu.memory_space<vmem>>
      %dma_start3A_165 = arith.constant 0 : i32
      %dma_start3A_166 = tpu.memref_slice %arg2[%get3A_163, %dma_start3A_165] : memref<1000000x32xf32, #tpu.memory_space<hbm>> -> memref<1x32xf32, #tpu.memory_space<hbm>>
      %dma_start3A_167 = arith.constant 0 : i32
      %dma_start3A_168 = tpu.memref_slice %arg23[%scan3A_162, %dma_start3A_167] : memref<128x32xf32, #tpu.memory_space<vmem>> -> memref<1x32xf32, #tpu.memory_space<vmem>>
      %dma_start3A_169 = arith.constant 0 : i32
      %dma_start3A_170 = tpu.memref_slice %arg2[%get3A_163, %dma_start3A_169] : memref<1000000x32xf32, #tpu.memory_space<hbm>> -> memref<1x32xf32, #tpu.memory_space<hbm>>
      tpu.enqueue_dma source(%dma_start3A_170 : memref<1x32xf32, #tpu.memory_space<hbm>>) target(%dma_start3A_168 : memref<1x32xf32, #tpu.memory_space<vmem>>) target_semaphore(%arg30 : memref<!tpu.dma_semaphore, #tpu.memory_space<semaphore_mem>>)
      %get3A_171 = arith.index_cast %scan3A_162 : i32 to index
      %get3A_172 = memref.load %arg18[%get3A_171] : memref<128xi32, #tpu.memory_space<smem>>
      %dma_start3A_173 = arith.constant 0 : i32
      %dma_start3A_174 = tpu.memref_slice %arg24[%scan3A_162, %dma_start3A_173] : memref<128x32xf32, #tpu.memory_space<vmem>> -> memref<1x32xf32, #tpu.memory_space<vmem>>
      %dma_start3A_175 = arith.constant 0 : i32
      %dma_start3A_176 = tpu.memref_slice %arg3[%get3A_172, %dma_start3A_175] : memref<1000000x32xf32, #tpu.memory_space<hbm>> -> memref<1x32xf32, #tpu.memory_space<hbm>>
      %dma_start3A_177 = arith.constant 0 : i32
      %dma_start3A_178 = tpu.memref_slice %arg24[%scan3A_162, %dma_start3A_177] : memref<128x32xf32, #tpu.memory_space<vmem>> -> memref<1x32xf32, #tpu.memory_space<vmem>>
      %dma_start3A_179 = arith.constant 0 : i32
      %dma_start3A_180 = tpu.memref_slice %arg3[%get3A_172, %dma_start3A_179] : memref<1000000x32xf32, #tpu.memory_space<hbm>> -> memref<1x32xf32, #tpu.memory_space<hbm>>
      tpu.enqueue_dma source(%dma_start3A_180 : memref<1x32xf32, #tpu.memory_space<hbm>>) target(%dma_start3A_178 : memref<1x32xf32, #tpu.memory_space<vmem>>) target_semaphore(%arg30 : memref<!tpu.dma_semaphore, #tpu.memory_space<semaphore_mem>>)
      %get3A_181 = arith.index_cast %scan3A_162 : i32 to index
      %get3A_182 = memref.load %arg19[%get3A_181] : memref<128xi32, #tpu.memory_space<smem>>
      %dma_start3A_183 = arith.constant 0 : i32
      %dma_start3A_184 = tpu.memref_slice %arg25[%scan3A_162, %dma_start3A_183] : memref<128x32xf32, #tpu.memory_space<vmem>> -> memref<1x32xf32, #tpu.memory_space<vmem>>
      %dma_start3A_185 = arith.constant 0 : i32
      %dma_start3A_186 = tpu.memref_slice %arg2[%get3A_182, %dma_start3A_185] : memref<1000000x32xf32, #tpu.memory_space<hbm>> -> memref<1x32xf32, #tpu.memory_space<hbm>>
      %dma_start3A_187 = arith.constant 0 : i32
      %dma_start3A_188 = tpu.memref_slice %arg25[%scan3A_162, %dma_start3A_187] : memref<128x32xf32, #tpu.memory_space<vmem>> -> memref<1x32xf32, #tpu.memory_space<vmem>>
      %dma_start3A_189 = arith.constant 0 : i32
      %dma_start3A_190 = tpu.memref_slice %arg2[%get3A_182, %dma_start3A_189] : memref<1000000x32xf32, #tpu.memory_space<hbm>> -> memref<1x32xf32, #tpu.memory_space<hbm>>
      tpu.enqueue_dma source(%dma_start3A_190 : memref<1x32xf32, #tpu.memory_space<hbm>>) target(%dma_start3A_188 : memref<1x32xf32, #tpu.memory_space<vmem>>) target_semaphore(%arg30 : memref<!tpu.dma_semaphore, #tpu.memory_space<semaphore_mem>>)
      %get3A_191 = arith.index_cast %scan3A_162 : i32 to index
      %get3A_192 = memref.load %arg20[%get3A_191] : memref<128xi32, #tpu.memory_space<smem>>
      %dma_start3A_193 = arith.constant 0 : i32
      %dma_start3A_194 = tpu.memref_slice %arg26[%scan3A_162, %dma_start3A_193] : memref<128x32xf32, #tpu.memory_space<vmem>> -> memref<1x32xf32, #tpu.memory_space<vmem>>
      %dma_start3A_195 = arith.constant 0 : i32
      %dma_start3A_196 = tpu.memref_slice %arg2[%get3A_192, %dma_start3A_195] : memref<1000000x32xf32, #tpu.memory_space<hbm>> -> memref<1x32xf32, #tpu.memory_space<hbm>>
      %dma_start3A_197 = arith.constant 0 : i32
      %dma_start3A_198 = tpu.memref_slice %arg26[%scan3A_162, %dma_start3A_197] : memref<128x32xf32, #tpu.memory_space<vmem>> -> memref<1x32xf32, #tpu.memory_space<vmem>>
      %dma_start3A_199 = arith.constant 0 : i32
      %dma_start3A_200 = tpu.memref_slice %arg2[%get3A_192, %dma_start3A_199] : memref<1000000x32xf32, #tpu.memory_space<hbm>> -> memref<1x32xf32, #tpu.memory_space<hbm>>
      tpu.enqueue_dma source(%dma_start3A_200 : memref<1x32xf32, #tpu.memory_space<hbm>>) target(%dma_start3A_198 : memref<1x32xf32, #tpu.memory_space<vmem>>) target_semaphore(%arg30 : memref<!tpu.dma_semaphore, #tpu.memory_space<semaphore_mem>>)
      %get3A_201 = arith.index_cast %scan3A_162 : i32 to index
      %get3A_202 = memref.load %arg21[%get3A_201] : memref<128xi32, #tpu.memory_space<smem>>
      %dma_start3A_203 = arith.constant 0 : i32
      %dma_start3A_204 = tpu.memref_slice %arg27[%scan3A_162, %dma_start3A_203] : memref<128x32xf32, #tpu.memory_space<vmem>> -> memref<1x32xf32, #tpu.memory_space<vmem>>
      %dma_start3A_205 = arith.constant 0 : i32
      %dma_start3A_206 = tpu.memref_slice %arg3[%get3A_202, %dma_start3A_205] : memref<1000000x32xf32, #tpu.memory_space<hbm>> -> memref<1x32xf32, #tpu.memory_space<hbm>>
      %dma_start3A_207 = arith.constant 0 : i32
      %dma_start3A_208 = tpu.memref_slice %arg27[%scan3A_162, %dma_start3A_207] : memref<128x32xf32, #tpu.memory_space<vmem>> -> memref<1x32xf32, #tpu.memory_space<vmem>>
      %dma_start3A_209 = arith.constant 0 : i32
      %dma_start3A_210 = tpu.memref_slice %arg3[%get3A_202, %dma_start3A_209] : memref<1000000x32xf32, #tpu.memory_space<hbm>> -> memref<1x32xf32, #tpu.memory_space<hbm>>
      tpu.enqueue_dma source(%dma_start3A_210 : memref<1x32xf32, #tpu.memory_space<hbm>>) target(%dma_start3A_208 : memref<1x32xf32, #tpu.memory_space<vmem>>) target_semaphore(%arg30 : memref<!tpu.dma_semaphore, #tpu.memory_space<semaphore_mem>>)
      %get3A_211 = arith.index_cast %scan3A_162 : i32 to index
      %get3A_212 = memref.load %arg22[%get3A_211] : memref<128xi32, #tpu.memory_space<smem>>
      %dma_start3A_213 = arith.constant 0 : i32
      %dma_start3A_214 = tpu.memref_slice %arg28[%scan3A_162, %dma_start3A_213] : memref<128x32xf32, #tpu.memory_space<vmem>> -> memref<1x32xf32, #tpu.memory_space<vmem>>
      %dma_start3A_215 = arith.constant 0 : i32
      %dma_start3A_216 = tpu.memref_slice %arg2[%get3A_212, %dma_start3A_215] : memref<1000000x32xf32, #tpu.memory_space<hbm>> -> memref<1x32xf32, #tpu.memory_space<hbm>>
      %dma_start3A_217 = arith.constant 0 : i32
      %dma_start3A_218 = tpu.memref_slice %arg28[%scan3A_162, %dma_start3A_217] : memref<128x32xf32, #tpu.memory_space<vmem>> -> memref<1x32xf32, #tpu.memory_space<vmem>>
      %dma_start3A_219 = arith.constant 0 : i32
      %dma_start3A_220 = tpu.memref_slice %arg2[%get3A_212, %dma_start3A_219] : memref<1000000x32xf32, #tpu.memory_space<hbm>> -> memref<1x32xf32, #tpu.memory_space<hbm>>
      tpu.enqueue_dma source(%dma_start3A_220 : memref<1x32xf32, #tpu.memory_space<hbm>>) target(%dma_start3A_218 : memref<1x32xf32, #tpu.memory_space<vmem>>) target_semaphore(%arg30 : memref<!tpu.dma_semaphore, #tpu.memory_space<semaphore_mem>>)
    }
    %scan3A_116 = arith.constant 128 : i32
    tpu.wait_dma2 semaphore(%arg30 : memref<!tpu.dma_semaphore, #tpu.memory_space<semaphore_mem>>) src(%arg2 : memref<1000000x32xf32, #tpu.memory_space<hbm>>) dst(%arg23 : memref<128x32xf32, #tpu.memory_space<vmem>>)
    tpu.wait_dma2 semaphore(%arg30 : memref<!tpu.dma_semaphore, #tpu.memory_space<semaphore_mem>>) src(%arg3 : memref<1000000x32xf32, #tpu.memory_space<hbm>>) dst(%arg24 : memref<128x32xf32, #tpu.memory_space<vmem>>)
    tpu.wait_dma2 semaphore(%arg30 : memref<!tpu.dma_semaphore, #tpu.memory_space<semaphore_mem>>) src(%arg2 : memref<1000000x32xf32, #tpu.memory_space<hbm>>) dst(%arg25 : memref<128x32xf32, #tpu.memory_space<vmem>>)
    tpu.wait_dma2 semaphore(%arg30 : memref<!tpu.dma_semaphore, #tpu.memory_space<semaphore_mem>>) src(%arg2 : memref<1000000x32xf32, #tpu.memory_space<hbm>>) dst(%arg26 : memref<128x32xf32, #tpu.memory_space<vmem>>)
    tpu.wait_dma2 semaphore(%arg30 : memref<!tpu.dma_semaphore, #tpu.memory_space<semaphore_mem>>) src(%arg3 : memref<1000000x32xf32, #tpu.memory_space<hbm>>) dst(%arg27 : memref<128x32xf32, #tpu.memory_space<vmem>>)
    tpu.wait_dma2 semaphore(%arg30 : memref<!tpu.dma_semaphore, #tpu.memory_space<semaphore_mem>>) src(%arg2 : memref<1000000x32xf32, #tpu.memory_space<hbm>>) dst(%arg28 : memref<128x32xf32, #tpu.memory_space<vmem>>)
    %scan3A_117 = arith.constant 0 : i32
    %scan3A_118 = arith.constant 128 : i32
    %scan3A_119 = arith.addi %scan3A_117, %scan3A_118 : i32
    %scan3A_120 = arith.constant 1 : i32
    %scan3A_121 = scf.for %scan3A_162 = %scan3A_117 to %scan3A_119 step %scan3A_120 iter_args(%scan3A_163 = %scan3A_85) -> (vector<16xf32>)  : i32 {
      %get3A = arith.index_cast %scan3A_162 : i32 to index
      %get3A_164 = arith.constant 0 : index
      %get3A_165 = tpu.vector_load %arg23[%get3A, %get3A_164] {strides = array<i32>} : memref<128x32xf32, #tpu.memory_space<vmem>>, vector<1x16xf32>,
      %get3A_166 = vector.shape_cast %get3A_165 : vector<1x16xf32> to vector<16xf32>
      %get3A_167 = arith.index_cast %scan3A_162 : i32 to index
      %get3A_168 = arith.constant 0 : index
      %get3A_169 = tpu.vector_load %arg24[%get3A_167, %get3A_168] {strides = array<i32>} : memref<128x32xf32, #tpu.memory_space<vmem>>, vector<1x16xf32>,
      %get3A_170 = vector.shape_cast %get3A_169 : vector<1x16xf32> to vector<16xf32>
      %add3A_171 = arith.addf %get3A_166, %get3A_170 : vector<16xf32>
      %get3A_172 = arith.index_cast %scan3A_162 : i32 to index
      %get3A_173 = arith.constant 0 : index
      %get3A_174 = tpu.vector_load %arg25[%get3A_172, %get3A_173] {strides = array<i32>} : memref<128x32xf32, #tpu.memory_space<vmem>>, vector<1x16xf32>,
      %get3A_175 = vector.shape_cast %get3A_174 : vector<1x16xf32> to vector<16xf32>
      %sub3A = arith.subf %add3A_171, %get3A_175 : vector<16xf32>
      %abs3A = math.absf %sub3A : vector<16xf32>
      %get3A_176 = arith.index_cast %scan3A_162 : i32 to index
      %get3A_177 = arith.constant 0 : index
      %get3A_178 = tpu.vector_load %arg26[%get3A_176, %get3A_177] {strides = array<i32>} : memref<128x32xf32, #tpu.memory_space<vmem>>, vector<1x16xf32>,
      %get3A_179 = vector.shape_cast %get3A_178 : vector<1x16xf32> to vector<16xf32>
      %get3A_180 = arith.index_cast %scan3A_162 : i32 to index
      %get3A_181 = arith.constant 0 : index
      %get3A_182 = tpu.vector_load %arg27[%get3A_180, %get3A_181] {strides = array<i32>} : memref<128x32xf32, #tpu.memory_space<vmem>>, vector<1x16xf32>,
      %get3A_183 = vector.shape_cast %get3A_182 : vector<1x16xf32> to vector<16xf32>
      %add3A_184 = arith.addf %get3A_179, %get3A_183 : vector<16xf32>
      %get3A_185 = arith.index_cast %scan3A_162 : i32 to index
      %get3A_186 = arith.constant 0 : index
      %get3A_187 = tpu.vector_load %arg28[%get3A_185, %get3A_186] {strides = array<i32>} : memref<128x32xf32, #tpu.memory_space<vmem>>, vector<1x16xf32>,
      %get3A_188 = vector.shape_cast %get3A_187 : vector<1x16xf32> to vector<16xf32>
      %sub3A_189 = arith.subf %add3A_184, %get3A_188 : vector<16xf32>
      %abs3A_190 = math.absf %sub3A_189 : vector<16xf32>
      %sub3A_191 = arith.subf %abs3A_190, %abs3A : vector<16xf32>
      %add3A_192 = arith.addf %scan3A_163, %sub3A_191 : vector<16xf32>
      %get3A_193 = arith.index_cast %scan3A_162 : i32 to index
      %get3A_194 = arith.constant 16 : index
      %get3A_195 = tpu.vector_load %arg23[%get3A_193, %get3A_194] {strides = array<i32>} : memref<128x32xf32, #tpu.memory_space<vmem>>, vector<1x16xf32>,
      %get3A_196 = vector.shape_cast %get3A_195 : vector<1x16xf32> to vector<16xf32>
      %get3A_197 = arith.index_cast %scan3A_162 : i32 to index
      %get3A_198 = arith.constant 16 : index
      %get3A_199 = tpu.vector_load %arg24[%get3A_197, %get3A_198] {strides = array<i32>} : memref<128x32xf32, #tpu.memory_space<vmem>>, vector<1x16xf32>,
      %get3A_200 = vector.shape_cast %get3A_199 : vector<1x16xf32> to vector<16xf32>
      %add3A_201 = arith.addf %get3A_196, %get3A_200 : vector<16xf32>
      %get3A_202 = arith.index_cast %scan3A_162 : i32 to index
      %get3A_203 = arith.constant 16 : index
      %get3A_204 = tpu.vector_load %arg25[%get3A_202, %get3A_203] {strides = array<i32>} : memref<128x32xf32, #tpu.memory_space<vmem>>, vector<1x16xf32>,
      %get3A_205 = vector.shape_cast %get3A_204 : vector<1x16xf32> to vector<16xf32>
      %sub3A_206 = arith.subf %add3A_201, %get3A_205 : vector<16xf32>
      %abs3A_207 = math.absf %sub3A_206 : vector<16xf32>
      %get3A_208 = arith.index_cast %scan3A_162 : i32 to index
      %get3A_209 = arith.constant 16 : index
      %get3A_210 = tpu.vector_load %arg26[%get3A_208, %get3A_209] {strides = array<i32>} : memref<128x32xf32, #tpu.memory_space<vmem>>, vector<1x16xf32>,
      %get3A_211 = vector.shape_cast %get3A_210 : vector<1x16xf32> to vector<16xf32>
      %get3A_212 = arith.index_cast %scan3A_162 : i32 to index
      %get3A_213 = arith.constant 16 : index
      %get3A_214 = tpu.vector_load %arg27[%get3A_212, %get3A_213] {strides = array<i32>} : memref<128x32xf32, #tpu.memory_space<vmem>>, vector<1x16xf32>,
      %get3A_215 = vector.shape_cast %get3A_214 : vector<1x16xf32> to vector<16xf32>
      %add3A_216 = arith.addf %get3A_211, %get3A_215 : vector<16xf32>
      %get3A_217 = arith.index_cast %scan3A_162 : i32 to index
      %get3A_218 = arith.constant 16 : index
      %get3A_219 = tpu.vector_load %arg28[%get3A_217, %get3A_218] {strides = array<i32>} : memref<128x32xf32, #tpu.memory_space<vmem>>, vector<1x16xf32>,
      %get3A_220 = vector.shape_cast %get3A_219 : vector<1x16xf32> to vector<16xf32>
      %sub3A_221 = arith.subf %add3A_216, %get3A_220 : vector<16xf32>
      %abs3A_222 = math.absf %sub3A_221 : vector<16xf32>
      %sub3A_223 = arith.subf %abs3A_222, %abs3A_207 : vector<16xf32>
      %add3A_224 = arith.addf %add3A_192, %sub3A_223 : vector<16xf32>
      scf.yield %add3A_224 : vector<16xf32>
    }
    %scan3A_122 = arith.constant 128 : i32
    %mul3A_123 = arith.constant 512 : i32
    %mul3A_124 = arith.muli %arg1, %mul3A_123 : i32
    %add3A_125 = arith.constant 384 : i32
    %add3A_126 = arith.addi %mul3A_124, %add3A_125 : i32
    "tpu.region"() ({
      %run_scoped3A = tpu.sem_alloc : memref<!tpu.dma_semaphore, #tpu.memory_space<semaphore_mem>>
      %dma_start3A = tpu.memref_slice %arg11[%add3A_126] : memref<8192xi32, #tpu.memory_space<vmem_shared>> -> memref<128xi32, #tpu.memory_space<vmem_shared>>
      tpu.enqueue_dma source(%dma_start3A : memref<128xi32, #tpu.memory_space<vmem_shared>>) target(%arg17 : memref<128xi32, #tpu.memory_space<smem>>) target_semaphore(%run_scoped3A : memref<!tpu.dma_semaphore, #tpu.memory_space<semaphore_mem>>)
      %dma_wait3A = tpu.memref_slice %arg11[%add3A_126] : memref<8192xi32, #tpu.memory_space<vmem_shared>> -> memref<128xi32, #tpu.memory_space<vmem_shared>>
      tpu.wait_dma2 semaphore(%run_scoped3A : memref<!tpu.dma_semaphore, #tpu.memory_space<semaphore_mem>>) src(%dma_wait3A : memref<128xi32, #tpu.memory_space<vmem_shared>>) dst(%arg17 : memref<128xi32, #tpu.memory_space<smem>>)
      tpu.yield
    }) : () -> ()
    %mul3A_127 = arith.constant 512 : i32
    %mul3A_128 = arith.muli %arg1, %mul3A_127 : i32
    %add3A_129 = arith.constant 384 : i32
    %add3A_130 = arith.addi %mul3A_128, %add3A_129 : i32
    "tpu.region"() ({
      %run_scoped3A = tpu.sem_alloc : memref<!tpu.dma_semaphore, #tpu.memory_space<semaphore_mem>>
      %dma_start3A = tpu.memref_slice %arg12[%add3A_130] : memref<8192xi32, #tpu.memory_space<vmem_shared>> -> memref<128xi32, #tpu.memory_space<vmem_shared>>
      tpu.enqueue_dma source(%dma_start3A : memref<128xi32, #tpu.memory_space<vmem_shared>>) target(%arg18 : memref<128xi32, #tpu.memory_space<smem>>) target_semaphore(%run_scoped3A : memref<!tpu.dma_semaphore, #tpu.memory_space<semaphore_mem>>)
      %dma_wait3A = tpu.memref_slice %arg12[%add3A_130] : memref<8192xi32, #tpu.memory_space<vmem_shared>> -> memref<128xi32, #tpu.memory_space<vmem_shared>>
      tpu.wait_dma2 semaphore(%run_scoped3A : memref<!tpu.dma_semaphore, #tpu.memory_space<semaphore_mem>>) src(%dma_wait3A : memref<128xi32, #tpu.memory_space<vmem_shared>>) dst(%arg18 : memref<128xi32, #tpu.memory_space<smem>>)
      tpu.yield
    }) : () -> ()
    %mul3A_131 = arith.constant 512 : i32
    %mul3A_132 = arith.muli %arg1, %mul3A_131 : i32
    %add3A_133 = arith.constant 384 : i32
    %add3A_134 = arith.addi %mul3A_132, %add3A_133 : i32
    "tpu.region"() ({
      %run_scoped3A = tpu.sem_alloc : memref<!tpu.dma_semaphore, #tpu.memory_space<semaphore_mem>>
      %dma_start3A = tpu.memref_slice %arg13[%add3A_134] : memref<8192xi32, #tpu.memory_space<vmem_shared>> -> memref<128xi32, #tpu.memory_space<vmem_shared>>
      tpu.enqueue_dma source(%dma_start3A : memref<128xi32, #tpu.memory_space<vmem_shared>>) target(%arg19 : memref<128xi32, #tpu.memory_space<smem>>) target_semaphore(%run_scoped3A : memref<!tpu.dma_semaphore, #tpu.memory_space<semaphore_mem>>)
      %dma_wait3A = tpu.memref_slice %arg13[%add3A_134] : memref<8192xi32, #tpu.memory_space<vmem_shared>> -> memref<128xi32, #tpu.memory_space<vmem_shared>>
      tpu.wait_dma2 semaphore(%run_scoped3A : memref<!tpu.dma_semaphore, #tpu.memory_space<semaphore_mem>>) src(%dma_wait3A : memref<128xi32, #tpu.memory_space<vmem_shared>>) dst(%arg19 : memref<128xi32, #tpu.memory_space<smem>>)
      tpu.yield
    }) : () -> ()
    %mul3A_135 = arith.constant 512 : i32
    %mul3A_136 = arith.muli %arg1, %mul3A_135 : i32
    %add3A_137 = arith.constant 384 : i32
    %add3A_138 = arith.addi %mul3A_136, %add3A_137 : i32
    "tpu.region"() ({
      %run_scoped3A = tpu.sem_alloc : memref<!tpu.dma_semaphore, #tpu.memory_space<semaphore_mem>>
      %dma_start3A = tpu.memref_slice %arg14[%add3A_138] : memref<8192xi32, #tpu.memory_space<vmem_shared>> -> memref<128xi32, #tpu.memory_space<vmem_shared>>
      tpu.enqueue_dma source(%dma_start3A : memref<128xi32, #tpu.memory_space<vmem_shared>>) target(%arg20 : memref<128xi32, #tpu.memory_space<smem>>) target_semaphore(%run_scoped3A : memref<!tpu.dma_semaphore, #tpu.memory_space<semaphore_mem>>)
      %dma_wait3A = tpu.memref_slice %arg14[%add3A_138] : memref<8192xi32, #tpu.memory_space<vmem_shared>> -> memref<128xi32, #tpu.memory_space<vmem_shared>>
      tpu.wait_dma2 semaphore(%run_scoped3A : memref<!tpu.dma_semaphore, #tpu.memory_space<semaphore_mem>>) src(%dma_wait3A : memref<128xi32, #tpu.memory_space<vmem_shared>>) dst(%arg20 : memref<128xi32, #tpu.memory_space<smem>>)
      tpu.yield
    }) : () -> ()
    %mul3A_139 = arith.constant 512 : i32
    %mul3A_140 = arith.muli %arg1, %mul3A_139 : i32
    %add3A_141 = arith.constant 384 : i32
    %add3A_142 = arith.addi %mul3A_140, %add3A_141 : i32
    "tpu.region"() ({
      %run_scoped3A = tpu.sem_alloc : memref<!tpu.dma_semaphore, #tpu.memory_space<semaphore_mem>>
      %dma_start3A = tpu.memref_slice %arg15[%add3A_142] : memref<8192xi32, #tpu.memory_space<vmem_shared>> -> memref<128xi32, #tpu.memory_space<vmem_shared>>
      tpu.enqueue_dma source(%dma_start3A : memref<128xi32, #tpu.memory_space<vmem_shared>>) target(%arg21 : memref<128xi32, #tpu.memory_space<smem>>) target_semaphore(%run_scoped3A : memref<!tpu.dma_semaphore, #tpu.memory_space<semaphore_mem>>)
      %dma_wait3A = tpu.memref_slice %arg15[%add3A_142] : memref<8192xi32, #tpu.memory_space<vmem_shared>> -> memref<128xi32, #tpu.memory_space<vmem_shared>>
      tpu.wait_dma2 semaphore(%run_scoped3A : memref<!tpu.dma_semaphore, #tpu.memory_space<semaphore_mem>>) src(%dma_wait3A : memref<128xi32, #tpu.memory_space<vmem_shared>>) dst(%arg21 : memref<128xi32, #tpu.memory_space<smem>>)
      tpu.yield
    }) : () -> ()
    %mul3A_143 = arith.constant 512 : i32
    %mul3A_144 = arith.muli %arg1, %mul3A_143 : i32
    %add3A_145 = arith.constant 384 : i32
    %add3A_146 = arith.addi %mul3A_144, %add3A_145 : i32
    "tpu.region"() ({
      %run_scoped3A = tpu.sem_alloc : memref<!tpu.dma_semaphore, #tpu.memory_space<semaphore_mem>>
      %dma_start3A = tpu.memref_slice %arg16[%add3A_146] : memref<8192xi32, #tpu.memory_space<vmem_shared>> -> memref<128xi32, #tpu.memory_space<vmem_shared>>
      tpu.enqueue_dma source(%dma_start3A : memref<128xi32, #tpu.memory_space<vmem_shared>>) target(%arg22 : memref<128xi32, #tpu.memory_space<smem>>) target_semaphore(%run_scoped3A : memref<!tpu.dma_semaphore, #tpu.memory_space<semaphore_mem>>)
      %dma_wait3A = tpu.memref_slice %arg16[%add3A_146] : memref<8192xi32, #tpu.memory_space<vmem_shared>> -> memref<128xi32, #tpu.memory_space<vmem_shared>>
      tpu.wait_dma2 semaphore(%run_scoped3A : memref<!tpu.dma_semaphore, #tpu.memory_space<semaphore_mem>>) src(%dma_wait3A : memref<128xi32, #tpu.memory_space<vmem_shared>>) dst(%arg22 : memref<128xi32, #tpu.memory_space<smem>>)
      tpu.yield
    }) : () -> ()
    %scan3A_147 = arith.constant 0 : i32
    %scan3A_148 = arith.constant 0 : i32
    %scan3A_149 = arith.constant 128 : i32
    %scan3A_150 = arith.addi %scan3A_148, %scan3A_149 : i32
    %scan3A_151 = arith.constant 1 : i32
    scf.for %scan3A_162 = %scan3A_148 to %scan3A_150 step %scan3A_151  : i32 {
      %get3A = arith.index_cast %scan3A_162 : i32 to index
      %get3A_163 = memref.load %arg17[%get3A] : memref<128xi32, #tpu.memory_space<smem>>
      %dma_start3A = arith.constant 0 : i32
      %dma_start3A_164 = tpu.memref_slice %arg23[%scan3A_162, %dma_start3A] : memref<128x32xf32, #tpu.memory_space<vmem>> -> memref<1x32xf32, #tpu.memory_space<vmem>>
      %dma_start3A_165 = arith.constant 0 : i32
      %dma_start3A_166 = tpu.memref_slice %arg2[%get3A_163, %dma_start3A_165] : memref<1000000x32xf32, #tpu.memory_space<hbm>> -> memref<1x32xf32, #tpu.memory_space<hbm>>
      %dma_start3A_167 = arith.constant 0 : i32
      %dma_start3A_168 = tpu.memref_slice %arg23[%scan3A_162, %dma_start3A_167] : memref<128x32xf32, #tpu.memory_space<vmem>> -> memref<1x32xf32, #tpu.memory_space<vmem>>
      %dma_start3A_169 = arith.constant 0 : i32
      %dma_start3A_170 = tpu.memref_slice %arg2[%get3A_163, %dma_start3A_169] : memref<1000000x32xf32, #tpu.memory_space<hbm>> -> memref<1x32xf32, #tpu.memory_space<hbm>>
      tpu.enqueue_dma source(%dma_start3A_170 : memref<1x32xf32, #tpu.memory_space<hbm>>) target(%dma_start3A_168 : memref<1x32xf32, #tpu.memory_space<vmem>>) target_semaphore(%arg30 : memref<!tpu.dma_semaphore, #tpu.memory_space<semaphore_mem>>)
      %get3A_171 = arith.index_cast %scan3A_162 : i32 to index
      %get3A_172 = memref.load %arg18[%get3A_171] : memref<128xi32, #tpu.memory_space<smem>>
      %dma_start3A_173 = arith.constant 0 : i32
      %dma_start3A_174 = tpu.memref_slice %arg24[%scan3A_162, %dma_start3A_173] : memref<128x32xf32, #tpu.memory_space<vmem>> -> memref<1x32xf32, #tpu.memory_space<vmem>>
      %dma_start3A_175 = arith.constant 0 : i32
      %dma_start3A_176 = tpu.memref_slice %arg3[%get3A_172, %dma_start3A_175] : memref<1000000x32xf32, #tpu.memory_space<hbm>> -> memref<1x32xf32, #tpu.memory_space<hbm>>
      %dma_start3A_177 = arith.constant 0 : i32
      %dma_start3A_178 = tpu.memref_slice %arg24[%scan3A_162, %dma_start3A_177] : memref<128x32xf32, #tpu.memory_space<vmem>> -> memref<1x32xf32, #tpu.memory_space<vmem>>
      %dma_start3A_179 = arith.constant 0 : i32
      %dma_start3A_180 = tpu.memref_slice %arg3[%get3A_172, %dma_start3A_179] : memref<1000000x32xf32, #tpu.memory_space<hbm>> -> memref<1x32xf32, #tpu.memory_space<hbm>>
      tpu.enqueue_dma source(%dma_start3A_180 : memref<1x32xf32, #tpu.memory_space<hbm>>) target(%dma_start3A_178 : memref<1x32xf32, #tpu.memory_space<vmem>>) target_semaphore(%arg30 : memref<!tpu.dma_semaphore, #tpu.memory_space<semaphore_mem>>)
      %get3A_181 = arith.index_cast %scan3A_162 : i32 to index
      %get3A_182 = memref.load %arg19[%get3A_181] : memref<128xi32, #tpu.memory_space<smem>>
      %dma_start3A_183 = arith.constant 0 : i32
      %dma_start3A_184 = tpu.memref_slice %arg25[%scan3A_162, %dma_start3A_183] : memref<128x32xf32, #tpu.memory_space<vmem>> -> memref<1x32xf32, #tpu.memory_space<vmem>>
      %dma_start3A_185 = arith.constant 0 : i32
      %dma_start3A_186 = tpu.memref_slice %arg2[%get3A_182, %dma_start3A_185] : memref<1000000x32xf32, #tpu.memory_space<hbm>> -> memref<1x32xf32, #tpu.memory_space<hbm>>
      %dma_start3A_187 = arith.constant 0 : i32
      %dma_start3A_188 = tpu.memref_slice %arg25[%scan3A_162, %dma_start3A_187] : memref<128x32xf32, #tpu.memory_space<vmem>> -> memref<1x32xf32, #tpu.memory_space<vmem>>
      %dma_start3A_189 = arith.constant 0 : i32
      %dma_start3A_190 = tpu.memref_slice %arg2[%get3A_182, %dma_start3A_189] : memref<1000000x32xf32, #tpu.memory_space<hbm>> -> memref<1x32xf32, #tpu.memory_space<hbm>>
      tpu.enqueue_dma source(%dma_start3A_190 : memref<1x32xf32, #tpu.memory_space<hbm>>) target(%dma_start3A_188 : memref<1x32xf32, #tpu.memory_space<vmem>>) target_semaphore(%arg30 : memref<!tpu.dma_semaphore, #tpu.memory_space<semaphore_mem>>)
      %get3A_191 = arith.index_cast %scan3A_162 : i32 to index
      %get3A_192 = memref.load %arg20[%get3A_191] : memref<128xi32, #tpu.memory_space<smem>>
      %dma_start3A_193 = arith.constant 0 : i32
      %dma_start3A_194 = tpu.memref_slice %arg26[%scan3A_162, %dma_start3A_193] : memref<128x32xf32, #tpu.memory_space<vmem>> -> memref<1x32xf32, #tpu.memory_space<vmem>>
      %dma_start3A_195 = arith.constant 0 : i32
      %dma_start3A_196 = tpu.memref_slice %arg2[%get3A_192, %dma_start3A_195] : memref<1000000x32xf32, #tpu.memory_space<hbm>> -> memref<1x32xf32, #tpu.memory_space<hbm>>
      %dma_start3A_197 = arith.constant 0 : i32
      %dma_start3A_198 = tpu.memref_slice %arg26[%scan3A_162, %dma_start3A_197] : memref<128x32xf32, #tpu.memory_space<vmem>> -> memref<1x32xf32, #tpu.memory_space<vmem>>
      %dma_start3A_199 = arith.constant 0 : i32
      %dma_start3A_200 = tpu.memref_slice %arg2[%get3A_192, %dma_start3A_199] : memref<1000000x32xf32, #tpu.memory_space<hbm>> -> memref<1x32xf32, #tpu.memory_space<hbm>>
      tpu.enqueue_dma source(%dma_start3A_200 : memref<1x32xf32, #tpu.memory_space<hbm>>) target(%dma_start3A_198 : memref<1x32xf32, #tpu.memory_space<vmem>>) target_semaphore(%arg30 : memref<!tpu.dma_semaphore, #tpu.memory_space<semaphore_mem>>)
      %get3A_201 = arith.index_cast %scan3A_162 : i32 to index
      %get3A_202 = memref.load %arg21[%get3A_201] : memref<128xi32, #tpu.memory_space<smem>>
      %dma_start3A_203 = arith.constant 0 : i32
      %dma_start3A_204 = tpu.memref_slice %arg27[%scan3A_162, %dma_start3A_203] : memref<128x32xf32, #tpu.memory_space<vmem>> -> memref<1x32xf32, #tpu.memory_space<vmem>>
      %dma_start3A_205 = arith.constant 0 : i32
      %dma_start3A_206 = tpu.memref_slice %arg3[%get3A_202, %dma_start3A_205] : memref<1000000x32xf32, #tpu.memory_space<hbm>> -> memref<1x32xf32, #tpu.memory_space<hbm>>
      %dma_start3A_207 = arith.constant 0 : i32
      %dma_start3A_208 = tpu.memref_slice %arg27[%scan3A_162, %dma_start3A_207] : memref<128x32xf32, #tpu.memory_space<vmem>> -> memref<1x32xf32, #tpu.memory_space<vmem>>
      %dma_start3A_209 = arith.constant 0 : i32
      %dma_start3A_210 = tpu.memref_slice %arg3[%get3A_202, %dma_start3A_209] : memref<1000000x32xf32, #tpu.memory_space<hbm>> -> memref<1x32xf32, #tpu.memory_space<hbm>>
      tpu.enqueue_dma source(%dma_start3A_210 : memref<1x32xf32, #tpu.memory_space<hbm>>) target(%dma_start3A_208 : memref<1x32xf32, #tpu.memory_space<vmem>>) target_semaphore(%arg30 : memref<!tpu.dma_semaphore, #tpu.memory_space<semaphore_mem>>)
      %get3A_211 = arith.index_cast %scan3A_162 : i32 to index
      %get3A_212 = memref.load %arg22[%get3A_211] : memref<128xi32, #tpu.memory_space<smem>>
      %dma_start3A_213 = arith.constant 0 : i32
      %dma_start3A_214 = tpu.memref_slice %arg28[%scan3A_162, %dma_start3A_213] : memref<128x32xf32, #tpu.memory_space<vmem>> -> memref<1x32xf32, #tpu.memory_space<vmem>>
      %dma_start3A_215 = arith.constant 0 : i32
      %dma_start3A_216 = tpu.memref_slice %arg2[%get3A_212, %dma_start3A_215] : memref<1000000x32xf32, #tpu.memory_space<hbm>> -> memref<1x32xf32, #tpu.memory_space<hbm>>
      %dma_start3A_217 = arith.constant 0 : i32
      %dma_start3A_218 = tpu.memref_slice %arg28[%scan3A_162, %dma_start3A_217] : memref<128x32xf32, #tpu.memory_space<vmem>> -> memref<1x32xf32, #tpu.memory_space<vmem>>
      %dma_start3A_219 = arith.constant 0 : i32
      %dma_start3A_220 = tpu.memref_slice %arg2[%get3A_212, %dma_start3A_219] : memref<1000000x32xf32, #tpu.memory_space<hbm>> -> memref<1x32xf32, #tpu.memory_space<hbm>>
      tpu.enqueue_dma source(%dma_start3A_220 : memref<1x32xf32, #tpu.memory_space<hbm>>) target(%dma_start3A_218 : memref<1x32xf32, #tpu.memory_space<vmem>>) target_semaphore(%arg30 : memref<!tpu.dma_semaphore, #tpu.memory_space<semaphore_mem>>)
    }
    %scan3A_152 = arith.constant 128 : i32
    tpu.wait_dma2 semaphore(%arg30 : memref<!tpu.dma_semaphore, #tpu.memory_space<semaphore_mem>>) src(%arg2 : memref<1000000x32xf32, #tpu.memory_space<hbm>>) dst(%arg23 : memref<128x32xf32, #tpu.memory_space<vmem>>)
    tpu.wait_dma2 semaphore(%arg30 : memref<!tpu.dma_semaphore, #tpu.memory_space<semaphore_mem>>) src(%arg3 : memref<1000000x32xf32, #tpu.memory_space<hbm>>) dst(%arg24 : memref<128x32xf32, #tpu.memory_space<vmem>>)
    tpu.wait_dma2 semaphore(%arg30 : memref<!tpu.dma_semaphore, #tpu.memory_space<semaphore_mem>>) src(%arg2 : memref<1000000x32xf32, #tpu.memory_space<hbm>>) dst(%arg25 : memref<128x32xf32, #tpu.memory_space<vmem>>)
    tpu.wait_dma2 semaphore(%arg30 : memref<!tpu.dma_semaphore, #tpu.memory_space<semaphore_mem>>) src(%arg2 : memref<1000000x32xf32, #tpu.memory_space<hbm>>) dst(%arg26 : memref<128x32xf32, #tpu.memory_space<vmem>>)
    tpu.wait_dma2 semaphore(%arg30 : memref<!tpu.dma_semaphore, #tpu.memory_space<semaphore_mem>>) src(%arg3 : memref<1000000x32xf32, #tpu.memory_space<hbm>>) dst(%arg27 : memref<128x32xf32, #tpu.memory_space<vmem>>)
    tpu.wait_dma2 semaphore(%arg30 : memref<!tpu.dma_semaphore, #tpu.memory_space<semaphore_mem>>) src(%arg2 : memref<1000000x32xf32, #tpu.memory_space<hbm>>) dst(%arg28 : memref<128x32xf32, #tpu.memory_space<vmem>>)
    %scan3A_153 = arith.constant 0 : i32
    %scan3A_154 = arith.constant 128 : i32
    %scan3A_155 = arith.addi %scan3A_153, %scan3A_154 : i32
    %scan3A_156 = arith.constant 1 : i32
    %scan3A_157 = scf.for %scan3A_162 = %scan3A_153 to %scan3A_155 step %scan3A_156 iter_args(%scan3A_163 = %scan3A_121) -> (vector<16xf32>)  : i32 {
      %get3A = arith.index_cast %scan3A_162 : i32 to index
      %get3A_164 = arith.constant 0 : index
      %get3A_165 = tpu.vector_load %arg23[%get3A, %get3A_164] {strides = array<i32>} : memref<128x32xf32, #tpu.memory_space<vmem>>, vector<1x16xf32>,
      %get3A_166 = vector.shape_cast %get3A_165 : vector<1x16xf32> to vector<16xf32>
      %get3A_167 = arith.index_cast %scan3A_162 : i32 to index
      %get3A_168 = arith.constant 0 : index
      %get3A_169 = tpu.vector_load %arg24[%get3A_167, %get3A_168] {strides = array<i32>} : memref<128x32xf32, #tpu.memory_space<vmem>>, vector<1x16xf32>,
      %get3A_170 = vector.shape_cast %get3A_169 : vector<1x16xf32> to vector<16xf32>
      %add3A_171 = arith.addf %get3A_166, %get3A_170 : vector<16xf32>
      %get3A_172 = arith.index_cast %scan3A_162 : i32 to index
      %get3A_173 = arith.constant 0 : index
      %get3A_174 = tpu.vector_load %arg25[%get3A_172, %get3A_173] {strides = array<i32>} : memref<128x32xf32, #tpu.memory_space<vmem>>, vector<1x16xf32>,
      %get3A_175 = vector.shape_cast %get3A_174 : vector<1x16xf32> to vector<16xf32>
      %sub3A = arith.subf %add3A_171, %get3A_175 : vector<16xf32>
      %abs3A = math.absf %sub3A : vector<16xf32>
      %get3A_176 = arith.index_cast %scan3A_162 : i32 to index
      %get3A_177 = arith.constant 0 : index
      %get3A_178 = tpu.vector_load %arg26[%get3A_176, %get3A_177] {strides = array<i32>} : memref<128x32xf32, #tpu.memory_space<vmem>>, vector<1x16xf32>,
      %get3A_179 = vector.shape_cast %get3A_178 : vector<1x16xf32> to vector<16xf32>
      %get3A_180 = arith.index_cast %scan3A_162 : i32 to index
      %get3A_181 = arith.constant 0 : index
      %get3A_182 = tpu.vector_load %arg27[%get3A_180, %get3A_181] {strides = array<i32>} : memref<128x32xf32, #tpu.memory_space<vmem>>, vector<1x16xf32>,
      %get3A_183 = vector.shape_cast %get3A_182 : vector<1x16xf32> to vector<16xf32>
      %add3A_184 = arith.addf %get3A_179, %get3A_183 : vector<16xf32>
      %get3A_185 = arith.index_cast %scan3A_162 : i32 to index
      %get3A_186 = arith.constant 0 : index
      %get3A_187 = tpu.vector_load %arg28[%get3A_185, %get3A_186] {strides = array<i32>} : memref<128x32xf32, #tpu.memory_space<vmem>>, vector<1x16xf32>,
      %get3A_188 = vector.shape_cast %get3A_187 : vector<1x16xf32> to vector<16xf32>
      %sub3A_189 = arith.subf %add3A_184, %get3A_188 : vector<16xf32>
      %abs3A_190 = math.absf %sub3A_189 : vector<16xf32>
      %sub3A_191 = arith.subf %abs3A_190, %abs3A : vector<16xf32>
      %add3A_192 = arith.addf %scan3A_163, %sub3A_191 : vector<16xf32>
      %get3A_193 = arith.index_cast %scan3A_162 : i32 to index
      %get3A_194 = arith.constant 16 : index
      %get3A_195 = tpu.vector_load %arg23[%get3A_193, %get3A_194] {strides = array<i32>} : memref<128x32xf32, #tpu.memory_space<vmem>>, vector<1x16xf32>,
      %get3A_196 = vector.shape_cast %get3A_195 : vector<1x16xf32> to vector<16xf32>
      %get3A_197 = arith.index_cast %scan3A_162 : i32 to index
      %get3A_198 = arith.constant 16 : index
      %get3A_199 = tpu.vector_load %arg24[%get3A_197, %get3A_198] {strides = array<i32>} : memref<128x32xf32, #tpu.memory_space<vmem>>, vector<1x16xf32>,
      %get3A_200 = vector.shape_cast %get3A_199 : vector<1x16xf32> to vector<16xf32>
      %add3A_201 = arith.addf %get3A_196, %get3A_200 : vector<16xf32>
      %get3A_202 = arith.index_cast %scan3A_162 : i32 to index
      %get3A_203 = arith.constant 16 : index
      %get3A_204 = tpu.vector_load %arg25[%get3A_202, %get3A_203] {strides = array<i32>} : memref<128x32xf32, #tpu.memory_space<vmem>>, vector<1x16xf32>,
      %get3A_205 = vector.shape_cast %get3A_204 : vector<1x16xf32> to vector<16xf32>
      %sub3A_206 = arith.subf %add3A_201, %get3A_205 : vector<16xf32>
      %abs3A_207 = math.absf %sub3A_206 : vector<16xf32>
      %get3A_208 = arith.index_cast %scan3A_162 : i32 to index
      %get3A_209 = arith.constant 16 : index
      %get3A_210 = tpu.vector_load %arg26[%get3A_208, %get3A_209] {strides = array<i32>} : memref<128x32xf32, #tpu.memory_space<vmem>>, vector<1x16xf32>,
      %get3A_211 = vector.shape_cast %get3A_210 : vector<1x16xf32> to vector<16xf32>
      %get3A_212 = arith.index_cast %scan3A_162 : i32 to index
      %get3A_213 = arith.constant 16 : index
      %get3A_214 = tpu.vector_load %arg27[%get3A_212, %get3A_213] {strides = array<i32>} : memref<128x32xf32, #tpu.memory_space<vmem>>, vector<1x16xf32>,
      %get3A_215 = vector.shape_cast %get3A_214 : vector<1x16xf32> to vector<16xf32>
      %add3A_216 = arith.addf %get3A_211, %get3A_215 : vector<16xf32>
      %get3A_217 = arith.index_cast %scan3A_162 : i32 to index
      %get3A_218 = arith.constant 16 : index
      %get3A_219 = tpu.vector_load %arg28[%get3A_217, %get3A_218] {strides = array<i32>} : memref<128x32xf32, #tpu.memory_space<vmem>>, vector<1x16xf32>,
      %get3A_220 = vector.shape_cast %get3A_219 : vector<1x16xf32> to vector<16xf32>
      %sub3A_221 = arith.subf %add3A_216, %get3A_220 : vector<16xf32>
      %abs3A_222 = math.absf %sub3A_221 : vector<16xf32>
      %sub3A_223 = arith.subf %abs3A_222, %abs3A_207 : vector<16xf32>
      %add3A_224 = arith.addf %add3A_192, %sub3A_223 : vector<16xf32>
      scf.yield %add3A_224 : vector<16xf32>
    }
    %scan3A_158 = arith.constant 128 : i32
    %swap3A = arith.constant 0 : index
    %swap3A_159 = tpu.vector_load %arg29[%swap3A] {strides = array<i32>} : memref<16xf32, #tpu.memory_space<vmem>>, vector<16xf32>,
    %swap3A_160 = vector.shape_cast %swap3A_159 : vector<16xf32> to vector<16xf32>
    %swap3A_161 = vector.shape_cast %scan3A_157 : vector<16xf32> to vector<16xf32>
    tpu.vector_store %arg29[%swap3A], %swap3A_161 {strides = array<i32>} : memref<16xf32, #tpu.memory_space<vmem>>, vector<16xf32>,
    "tpu.region"() ({
      %run_scoped3A = tpu.sem_alloc : memref<!tpu.dma_semaphore, #tpu.memory_space<semaphore_mem>>
      %dma_start3A = arith.constant 0 : i32
      %dma_start3A_162 = tpu.memref_slice %arg10[%add3A, %dma_start3A] : memref<32x16xf32, #tpu.memory_space<hbm>> -> memref<1x16xf32, #tpu.memory_space<hbm>>
      %dma_start3A_163 = tpu.memref_squeeze %dma_start3A_162 : memref<1x16xf32, #tpu.memory_space<hbm>> -> memref<16xf32, #tpu.memory_space<hbm>>
      %dma_start3A_164 = arith.constant 0 : i32
      %dma_start3A_165 = tpu.memref_slice %arg10[%add3A, %dma_start3A_164] : memref<32x16xf32, #tpu.memory_space<hbm>> -> memref<1x16xf32, #tpu.memory_space<hbm>>
      %dma_start3A_166 = tpu.memref_squeeze %dma_start3A_165 : memref<1x16xf32, #tpu.memory_space<hbm>> -> memref<16xf32, #tpu.memory_space<hbm>>
      tpu.enqueue_dma source(%arg29 : memref<16xf32, #tpu.memory_space<vmem>>) target(%dma_start3A_166 : memref<16xf32, #tpu.memory_space<hbm>>) target_semaphore(%run_scoped3A : memref<!tpu.dma_semaphore, #tpu.memory_space<semaphore_mem>>)
      %dma_wait3A = arith.constant 0 : i32
      %dma_wait3A_167 = tpu.memref_slice %arg10[%add3A, %dma_wait3A] : memref<32x16xf32, #tpu.memory_space<hbm>> -> memref<1x16xf32, #tpu.memory_space<hbm>>
      %dma_wait3A_168 = tpu.memref_squeeze %dma_wait3A_167 : memref<1x16xf32, #tpu.memory_space<hbm>> -> memref<16xf32, #tpu.memory_space<hbm>>
      %dma_wait3A_169 = arith.constant 0 : i32
      %dma_wait3A_170 = tpu.memref_slice %arg10[%add3A, %dma_wait3A_169] : memref<32x16xf32, #tpu.memory_space<hbm>> -> memref<1x16xf32, #tpu.memory_space<hbm>>
      %dma_wait3A_171 = tpu.memref_squeeze %dma_wait3A_170 : memref<1x16xf32, #tpu.memory_space<hbm>> -> memref<16xf32, #tpu.memory_space<hbm>>
      tpu.wait_dma2 semaphore(%run_scoped3A : memref<!tpu.dma_semaphore, #tpu.memory_space<semaphore_mem>>) src(%arg29 : memref<16xf32, #tpu.memory_space<vmem>>) dst(%dma_wait3A_171 : memref<16xf32, #tpu.memory_space<hbm>>)
      tpu.yield
    }) : () -> ()
    return
  }
}

</mosaic_0001>

<sc_bundles>
// kernel: kernel.3.cloned.1.call-start
scs
__scs_entry_jumppad:
0x0: {  	(pc) =	sbr.rel $0x88, $3  }
0x1: {  	(tag) =	ssettag $0x0;
	lr =	simm.s32 $0x1  }
0x2: {  	[smem:$0x3F9D] =	sst lr;
	_ =	strace $0xD0000000  }
0x3: {  	_ = 	snop  }
0x4: {  	_ = 	snop  }
0x5: {  	_ = 	snop  }
0x6: {  	_ = 	snop  }
0x7: {  	_ = 	snop  }
__scs_overlays_trampoline_lowered:
0x8: {  	[smem:$0x3FAC] =	sst s0  }
0x9: {  	[smem:$0x3FAD] =	sst s1  }
0xa: {  	[smem:$0x3FAE] =	sst s2  }
0xb: {  	[smem:$0x3FAF] =	sst s3  }
0xc: {  	[smem:$0x3FB0] =	sst s4  }
0xd: {  	[smem:$0x3FB1] =	sst s5  }
0xe: {  	[smem:$0x3FB2] =	sst s6  }
0xf: {  	[smem:$0x3FB3] =	sst s7  }
0x10: {  	[smem:$0x3FB4] =	sst s8  }
0x11: {  	[smem:$0x3FB5] =	sst s9;
	s0 =	simm.s32 @!p0 $0x0  }
0x12: {  	s1 =	sld [smem:$0x3F9B];
	s0 =	simm.s32 @p0 $0x1  }
0x13: {  	[smem:$0x3FB6] =	sst s0;
	s0 =	simm.s32 @!p1 $0x0  }
0x14: {  	s2 =	sld [smem:$0x3F9A];
	s0 =	simm.s32 @p1 $0x1  }
0x15: {  	[smem:$0x3FB7] =	sst s0;
	s0 =	simm.s32 @!p2 $0x0  }
0x16: {  	s3 =	sld [smem:$0x3FDB];
	s0 =	simm.s32 @p2 $0x1  }
0x17: {  	s4 =	simm.s32 $0x1BF5;
	[smem:$0x3FB9] =	sst s0  }
0x18: {  	s0 =	sld [smem:$0x3F9C];
	_ =	swait.ge [sflag:s4], $0x0  }
0x19: {  	s7 =	sld [smem:$0x3F9D]  }
0x1a: {  	s8 =	sadd.s32 $0xFFFFE003, lr  }
0x1b: {  	s9 =	sadd.s32 $0xFFFFFEF7, lr;
	s5 =	simm.s32 $0xFFFFFFFF;
	p2 =	slt.u32 s8, $0xFFFFF086  }
0x1c: {  	p1 =	slt.u32 s9, $0xF7A;
	s5 =	simm.s32 @!p2 $0x0  }
0x1d: {  	s5 =	simm.s32 @p1 $0x1;
	p0 =	seq.s32 s7, s2  }
0x1e: {  	s7 =	smul.u32 @!p0 $0xF7A, s2;
	p2 =	seq.s32 @!p0 s5, $0x0  }
0x1f: {  	s9 =	smul.u32 $0xF7A, s1;
	s8 =	simm.s32 @!p0 $0x1BF5;
	p2 =	por !p2, p0  }
0x20: {  	[sflag:s8] =	ssyncset.s32 @!p0 $0xFFFFF086;
	s6 =	sadd.s32 @!p0 s3, s7;
	s7 =	simm.s32 @!p0 $0x108  }
0x21: {  	s3 =	sadd.s32 s3, s9;
	s6 =	sadd.s32 @!p0 $0x88, s6;
	s7 =	simm.s32 @p2 $0x1082  }
0x22: {  	[simem:s7], [sflag:s8] =	dma.local @!p0 [hbm:s6], $0xF7A  }
0x23: {  	s9 =	sor.u32 $0xD0000000, s2;
	s6 =	simm.s32 $0x108;
	_ =	swait.ge @!p0 [sflag:s8], $0x0  }
0x24: {  	s3 =	sadd.s32 $0x88, s3;
	s6 =	simm.s32 @!p1 $0x1082;
	[sflag:s4] =	ssyncset.s32 $0xFFFFF086  }
0x25: {  	[simem:s6], [sflag:s4] =	dma.local [hbm:s3], $0xF7A  }
0x26: {  	[smem:$0x3F9D] =	sst s1;
	(tag) =	ssettag s2;
	_ =	strace s9  }
0x27: {  	s1 =	sld [smem:$0x3FAD]  }
0x28: {  	s2 =	sld [smem:$0x3FAE]  }
0x29: {  	s4 =	sld [smem:$0x3FB0]  }
0x2a: {  	p0 =	seq.s32 s5, $0x0;
	s5 =	sld [smem:$0x3FB1]  }
0x2b: {  	s6 =	sld [smem:$0x3FB2]  }
0x2c: {  	s7 =	sld [smem:$0x3FB3]  }
0x2d: {  	s3 =	simm.s32 $0x108;
	s8 =	sld [smem:$0x3FB4]  }
0x2e: {  	s3 =	simm.s32 @!p0 $0x1082;
	s9 =	sld [smem:$0x3FB5]  }
0x2f: {  	lr =	sadd.s32 s0, s3;
	s0 =	sld [smem:$0x3FAC]  }
0x30: {  	s3 =	sld [smem:$0x3FAF]  }
0x31: {  	[smem:$0x3FB8] =	sst s10  }
0x32: {  	s10 =	sld [smem:$0x3FB6];
	_ =	sdelay $0x3  }
0x33: {  	p0 =	seq.s32 s10, $0x1;
	s10 =	sld [smem:$0x3FB8];
	_ =	sdelay $0x3  }
0x34: {  	[smem:$0x3FB8] =	sst s10  }
0x35: {  	s10 =	sld [smem:$0x3FB7];
	_ =	sdelay $0x3  }
0x36: {  	p1 =	seq.s32 s10, $0x1;
	s10 =	sld [smem:$0x3FB8];
	_ =	sdelay $0x3  }
0x37: {  	[smem:$0x3FB8] =	sst s10  }
0x38: {  	s10 =	sld [smem:$0x3FB9]  }
0x39: {  	_ = 	snop;
	(pc) =	sbr.ind lr, $3  }
0x3a: {  	_ = 	snop  }
0x3b: {  	_ = 	snop  }
0x3c: {  	p2 =	seq.s32 s10, $0x1;
	s10 =	sld [smem:$0x3FB8]  }
0x3d: {  	_ =	shalt  }
0x3e: {  	_ =	shalt  }
0x3f: {  	_ =	shalt  }
0x40: {  	_ =	shalt  }
0x41: {  	_ =	shalt  }
0x42: {  	_ =	shalt  }
0x43: {  	_ =	shalt  }
0x44: {  	_ =	shalt  }
0x45: {  	_ =	shalt  }
0x46: {  	_ =	shalt  }
0x47: {  	_ =	shalt  }
0x48: {  	_ =	shalt  }
0x49: {  	_ =	shalt  }
0x4a: {  	_ =	shalt  }
0x4b: {  	_ =	shalt  }
0x4c: {  	_ =	shalt  }
0x4d: {  	_ =	shalt  }
0x4e: {  	_ =	shalt  }
0x4f: {  	_ =	shalt  }
0x50: {  	_ =	shalt  }
0x51: {  	_ =	shalt  }
0x52: {  	_ =	shalt  }
0x53: {  	_ =	shalt  }
0x54: {  	_ =	shalt  }
0x55: {  	_ =	shalt  }
0x56: {  	_ =	shalt  }
0x57: {  	_ =	shalt  }
0x58: {  	_ =	shalt  }
0x59: {  	_ =	shalt  }
0x5a: {  	_ =	shalt  }
0x5b: {  	_ =	shalt  }
0x5c: {  	_ =	shalt  }
0x5d: {  	_ =	shalt  }
0x5e: {  	_ =	shalt  }
0x5f: {  	_ =	shalt  }
0x60: {  	_ =	shalt  }
0x61: {  	_ =	shalt  }
0x62: {  	_ =	shalt  }
0x63: {  	_ =	shalt  }
0x64: {  	_ =	shalt  }
0x65: {  	_ =	shalt  }
0x66: {  	_ =	shalt  }
0x67: {  	_ =	shalt  }
0x68: {  	_ =	shalt  }
0x69: {  	_ =	shalt  }
0x6a: {  	_ =	shalt  }
0x6b: {  	_ =	shalt  }
0x6c: {  	_ =	shalt  }
0x6d: {  	_ =	shalt  }
0x6e: {  	_ =	shalt  }
0x6f: {  	_ =	shalt  }
0x70: {  	_ =	shalt  }
0x71: {  	_ =	shalt  }
0x72: {  	_ =	shalt  }
0x73: {  	_ =	shalt  }
0x74: {  	_ =	shalt  }
0x75: {  	_ =	shalt  }
0x76: {  	_ =	shalt  }
0x77: {  	_ =	shalt  }
0x78: {  	_ =	shalt  }
0x79: {  	_ =	shalt  }
0x7a: {  	_ =	shalt  }
0x7b: {  	_ =	shalt  }
0x7c: {  	_ =	shalt  }
0x7d: {  	_ =	shalt  }
0x7e: {  	_ =	shalt  }
0x7f: {  	_ =	shalt  }
0x80: {  	_ =	shalt  }
0x81: {  	_ =	shalt  }
0x82: {  	_ =	shalt  }
0x83: {  	_ =	shalt  }
0x84: {  	_ =	shalt  }
0x85: {  	_ =	shalt  }
0x86: {  	_ =	shalt  }
0x87: {  	_ =	shalt  }
.Lfunc_end0:
.L_simem_size_0:
called_computation_lowered:
.L_overlay_start_0:
0x88: {  	s2 =	sld [smem:$0x3FD9]  }
0x89: {  	s3 =	sld [smem:$0x3FFE];
	_ =	sdelay $0x1  }
0x8a: {  	s1 =	srdreg.scid  }
0x8b: {  	s0 =	sand.u32 $0x1, s1  }
0x8c: {  	s16 =	sshll.u32 s0, $0xA;
	s2 =	sadd.s32 s3, s2  }
0x8d: {  	s2 =	sadd.s32 s2, s16  }
0x8e: {  	[smem:$0x3FC4] =	sst s2  }
0x8f: {  	_ = 	snop  }
0x90: {  	(tm) =	ssettm $0x1  }
0x91: {  	s17 =	sld [smem:$0x3FFB];
	_ =	sdelay $0x3  }
0x92: {  	_ =	strace s17  }
0x93: {  	s2 =	sld [smem:$0x3FFC];
	_ =	sdelay $0x3  }
0x94: {  	_ =	strace s2  }
0x95: {  	s2 =	sld [smem:$0x3FFD];
	_ =	sdelay $0x3  }
0x96: {  	_ =	strace s2  }
0x97: {  	_ =	strace $0x8FFFFFFF  }
0x98: {  	s18 =	sld [smem:$0x3FDB];
	_ =	sdelay $0x1  }
0x99: {  	s19 =	simm.s32 $_scs_section_size  }
0x9a: {  	s4 =	simm.s32 $_size__tile_overlayer_lowered;
	s5 =	simm.s32 $_tile_overlayer_lowered  }
0x9b: {  	s22 =	simm.s32 $0x1BFF;
	s21 =	sshll.u32 s5, $0x1;
	s2 =	sadd.s32 s19, s18  }
0x9c: {  	s6 =	simm.s32 $0x0;
	s20 =	sshll.u32 s4, $0x1;
	s4 =	sadd.s32 s21, s2  }
0x9d: {  	[timem:s6], [sflag:s22] =	dma.local [hbm:s4], s20  }
0x9e: {  	_ =	swait.ge [sflag:s22], s20  }
0x9f: {  	s3 =	ssub.s32 $0x0, s20;
	[sflag:s22] =	ssyncset.done $0x0  }
0xa0: {  	[sflag:s22] =	ssyncadd.s32 s3;
	_ =	sdelay $0x1  }
0xa1: {  	s23 =	simm.s32 $0x1B8B  }
0xa2: {  	_ =	swait.ge [sflag:s23], $0x1  }
0xa3: {  	[sflag:s23] =	ssyncset.done $0x0  }
0xa4: {  	s25 =	simm.s32 $0x1B8E;
	s24 =	sld [smem:$0x3FFE];
	[sflag:s23] =	ssyncadd.s32 $0xFFFFFFFF  }
0xa5: {  	s26 =	simm.s32 $execute0_lowered;
	[smem:$0x3FD2] =	sst s25  }
0xa6: {  	s4 =	sshll.u32 s26, $0x1;
	_ =	strace $0x80000046;
	[dreg:$0x1] =	wrdreg $0xFFFFFFFF  }
0xa7: {  	s28 =	simm.s32 $_size_execute0_lowered;
	s2 =	sadd.s32 s2, s4;
	[dreg:$0x0] =	wrdreg $0x0  }
0xa8: {  	s4 =	sshll.u32 s28, $0x1;
	[dreg:$0x2] =	wrdreg s2  }
0xa9: {  	[dreg:$0x3] =	wrdreg s4  }
0xaa: {  	[dreg:$0x4] =	wrdreg $0xC0  }
0xab: {  	_ =	task [dreg:s6], $0x5FFFF  }
0xac: {  	[dreg:$0x1] =	wrdreg $0xFFFFFFFF  }
0xad: {  	[dreg:$0x0] =	wrdreg $0x60  }
0xae: {  	[dreg:$0x2] =	wrdreg s24  }
0xaf: {  	[dreg:$0x3] =	wrdreg $0x0  }
0xb0: {  	[dreg:$0x4] =	wrdreg $0x2000  }
0xb1: {  	[dreg:$0x5] =	wrdreg $0x4000  }
0xb2: {  	[dreg:$0x6] =	wrdreg $0x6000  }
0xb3: {  	[dreg:$0x7] =	wrdreg $0x8000  }
0xb4: {  	[dreg:$0x8] =	wrdreg $0xA000  }
0xb5: {  	[dreg:$0x9] =	wrdreg $0x9  }
0xb6: {  	_ =	task.clear_ibuf [dreg:s6], $0xAFFFF;
	_ =	strace $0x90000046  }
0xb7: {  	s29 =	simm.s32 $0x9;
	_ =	strace $0x80000048  }
0xb8: {  	_ =	swait.ge [sflag:s29], $0x1  }
0xb9: {  	[sflag:s29] =	ssyncadd.s32 $0xFFFFFFFF  }
0xba: {  	_ =	strace $0x90000048  }
0xbb: {  	_ =	sfence  }
0xbc: {  	s30 =	sld [smem:$0x0];
	_ =	sdelay $0x2  }
0xbd: {  	s31 =	sshll.u32 s1, $0xD;
	s1 =	sshrl.u32 s1, $0x2  }
0xbe: {  	s3 =	sand.u32 $0x4000, s31;
	s1 =	sadd.s32 s1, s30  }
0xbf: {  	s0 =	sor.u32 s3, s0;
	s1 =	sshll.u32 s1, $0x11  }
0xc0: {  	s0 =	sor.u32 s1, s0  }
0xc1: {  	s0 =	sadd.s32 $0x8F2B, s0  }
0xc2: {  	[sflag:s0] =	ssyncadd.remote.s32 $0x1  }
0xc3: {  	_ =	sfence.sel $0xFFFF  }
0xc4: {  	[dreg:$0x0] =	wrdreg $0xFFFFFFFF;
	(pc) =	sbr.abs _section_cstart, $3  }
0xc5: {  	[dreg:$0x1] =	wrdreg $0xFFFFFFFF  }
0xc6: {  	_ =	task.clear_ibuf [dreg:s6], $0x2FFFF;
	_ =	strace $0x9FFFFFFF  }
0xc7: {  	(tm) =	ssettm $0x7FFFFFFF  }
tec
execute0_lowered:
.L_overlay_start_1:
0x0: {  	(tag) =	ssettag $0x1  }
0x1: {  	s0 =	rddreg [dreg:$0x1]  }
0x2: {  	s2 =	rddreg [dreg:$0x2]  }
0x3: {  	s3 =	rddreg [dreg:$0x3]  }
0x4: {  	s8 =	rddreg [dreg:$0x4]  }
0x5: {  	s9 =	rddreg [dreg:$0x5];
	s4 =	srdreg.scid  }
0x6: {  	s10 =	rddreg [dreg:$0x6];
	s1 =	simm.s32 $0x0;
	s16 =	stileid.u32  }
0x7: {  	s4 =	sand.u32 $0x1, s4;
	[smem:$0x7FF] =	sst s1;
	s11 =	sshll.u32 s16, $0x9  }
0x8: {  	s6 =	sshll.u32 s16, $0x1;
	s5 =	ssub.s32 $0x2, s4;
	s31 =	sadd.s32 s11, s0  }
0x9: {  	s12 =	sor.u32 s4, s6;
	s6 =	sadd.s32 s11, s3;
	[dreg:$0x8] =	wrdreg s31  }
0xa: {  	s14 =	sadd.s32 s11, s9;
	s7 =	sshrl.u32 s5, $0x1;
	[dreg:$0xa] =	wrdreg s6  }
0xb: {  	[dreg:$0xc] =	wrdreg s14;
	s13 =	ssub.s32 s5, s7;
	s5 =	sadd.s32 s11, s2  }
0xc: {  	s14 =	sor.u32 $0x80, s11;
	s7 =	sadd.s32 s11, s8;
	[dreg:$0x9] =	wrdreg s5  }
0xd: {  	s15 =	sadd.s32 s14, s0;
	[dreg:$0xb] =	wrdreg s7  }
0xe: {  	s17 =	sadd.s32 s14, s2;
	[dreg:$0xd] =	wrdreg s15  }
0xf: {  	s18 =	sadd.s32 s14, s3;
	[dreg:$0xe] =	wrdreg s17  }
0x10: {  	s19 =	sadd.s32 s14, s8;
	[dreg:$0xf] =	wrdreg s18  }
0x11: {  	s20 =	sadd.s32 s14, s9;
	[dreg:$0x10] =	wrdreg s19  }
0x12: {  	s21 =	sadd.s32 s14, s10;
	[dreg:$0x11] =	wrdreg s20;
	s15 =	sor.u32 $0x100, s11  }
0x13: {  	[dreg:$0x12] =	wrdreg s21;
	s22 =	sadd.s32 s15, s0  }
0x14: {  	s23 =	sadd.s32 s15, s2;
	s24 =	sadd.s32 s15, s3;
	s25 =	sadd.s32 s15, s8  }
0x15: {  	s26 =	sadd.s32 s15, s9;
	s31 =	sadd.s32 s15, s10;
	s15 =	rddreg [dreg:$0x0]  }
0x16: {  	[dreg:$0x13] =	wrdreg s22  }
0x17: {  	[dreg:$0x14] =	wrdreg s23  }
0x18: {  	[dreg:$0x15] =	wrdreg s24  }
0x19: {  	[dreg:$0x16] =	wrdreg s25  }
0x1a: {  	s7 =	sadd.s32 s11, s10;
	s11 =	sor.u32 $0x180, s11;
	[dreg:$0x17] =	wrdreg s26  }
0x1b: {  	s0 =	sadd.s32 s11, s0;
	[dreg:$0x18] =	wrdreg s31  }
0x1c: {  	s5 =	sadd.s32 s11, s2;
	[dreg:$0x19] =	wrdreg s0  }
0x1d: {  	s17 =	sshll.u32 s12, $0x6;
	s6 =	sadd.s32 s11, s3;
	[dreg:$0x1a] =	wrdreg s5  }
0x1e: {  	s18 =	sshll.u32 s12, $0x4;
	s8 =	sadd.s32 s11, s8;
	[dreg:$0x1b] =	wrdreg s6  }
0x1f: {  	s19 =	sshll.u32 s16, $0x6;
	s9 =	sadd.s32 s11, s9;
	[dreg:$0x1c] =	wrdreg s8  }
0x20: {  	s16 =	simm.s32 $0x180;
	s14 =	sadd.s32 s11, s10;
	[dreg:$0x1d] =	wrdreg s9  }
0x21: {  	s30 =	sor.u32 $0x1C02, s19;
	s19 =	simm.s32 $0x1;
	[dreg:$0x1e] =	wrdreg s14  }
0x22: {  	s2 =	sadd.s32 s17, s15;
	s3 =	sadd.s32 s18, s15;
	s31 =	smax.u32 s13, $0x1  }
0x23: {  	_ =	strace $0x80000047;
	s20 =	sadd.s32 $0x1400, s2;
	[smem:$0x7FD] =	sst s31  }
0x24: {  	s28 =	sadd.s32 $0x3400, s15;
	s21 =	sadd.s32 $0xC00, s2;
	[dreg:$0x1f] =	wrdreg s20  }
0x25: {  	s29 =	sadd.s32 $0xF45800, s15;
	s22 =	sadd.s32 $0x400, s2;
	[smem:$0x7F7] =	sst s21  }
0x26: {  	s13 =	simm.s32 $0x2;
	s23 =	sadd.s32 $0x2C00, s2;
	[smem:$0x7F8] =	sst s22  }
0x27: {  	s14 =	simm.s32 $0x80;
	s24 =	sadd.s32 $0x2400, s2;
	[smem:$0x7F9] =	sst s23  }
0x28: {  	s15 =	simm.s32 $0x100;
	s25 =	sadd.s32 $0x1C00, s2;
	[smem:$0x7FA] =	sst s24  }
0x29: {  	s17 =	simm.s32 $0x200;
	s26 =	sadd.s32 $0x1E87C00, s3;
	[smem:$0x7FB] =	sst s25  }
0x2a: {  	s18 =	simm.s32 $0x280;
	[smem:$0x7FC] =	sst s26;
	s20 =	simm.s32 $0x0  }
.LBB2_1:
0x2b: {  	s2 =	rddreg [dreg:$0x8]  }
0x2c: {  	s3 =	rddreg [dreg:$0x1f];
	s0 =	sshrl.u32 s2, $0x3  }
0x2d: {  	[spmem:s0], [sflag:s30] =	dma.local [hbm:s3], $0x40  }
0x2e: {  	_ =	swait.ge [sflag:s13], $0x40  }
0x2f: {  	s4 =	sld [smem:$0x7F7]  }
0x30: {  	[sflag:s13] =	ssyncset.done $0x0;
	s24 =	rddreg [dreg:$0x9]  }
0x31: {  	[sflag:s13] =	ssyncadd.s32 $0xFFFFFFC0;
	s25 =	sshrl.u32 s24, $0x3  }
0x32: {  	[spmem:s25], [sflag:s30] =	dma.local [hbm:s4], $0x40  }
0x33: {  	_ =	swait.ge [sflag:s13], $0x40  }
0x34: {  	s5 =	sld [smem:$0x7F8]  }
0x35: {  	[sflag:s13] =	ssyncset.done $0x0;
	s26 =	rddreg [dreg:$0xa]  }
0x36: {  	[sflag:s13] =	ssyncadd.s32 $0xFFFFFFC0;
	s9 =	sshrl.u32 s26, $0x3  }
0x37: {  	[spmem:s9], [sflag:s30] =	dma.local [hbm:s5], $0x40  }
0x38: {  	_ =	swait.ge [sflag:s13], $0x40  }
0x39: {  	s6 =	sld [smem:$0x7F9]  }
0x3a: {  	[sflag:s13] =	ssyncset.done $0x0;
	s10 =	rddreg [dreg:$0xb]  }
0x3b: {  	[sflag:s13] =	ssyncadd.s32 $0xFFFFFFC0;
	s11 =	sshrl.u32 s10, $0x3  }
0x3c: {  	[spmem:s11], [sflag:s30] =	dma.local [hbm:s6], $0x40  }
0x3d: {  	_ =	swait.ge [sflag:s13], $0x40  }
0x3e: {  	s8 =	sld [smem:$0x7FA]  }
0x3f: {  	[sflag:s13] =	ssyncset.done $0x0;
	s12 =	rddreg [dreg:$0xc]  }
0x40: {  	[sflag:s13] =	ssyncadd.s32 $0xFFFFFFC0;
	s21 =	sshrl.u32 s12, $0x3  }
0x41: {  	[spmem:s21], [sflag:s30] =	dma.local [hbm:s8], $0x40  }
0x42: {  	_ =	swait.ge [sflag:s13], $0x40  }
0x43: {  	s23 =	sld [smem:$0x7FB]  }
0x44: {  	[sflag:s13] =	ssyncset.done $0x0  }
0x45: {  	s22 =	sshrl.u32 s7, $0x3;
	[sflag:s13] =	ssyncadd.s32 $0xFFFFFFC0  }
0x46: {  	[spmem:s22], [sflag:s30] =	dma.local [hbm:s23], $0x40  }
0x47: {  	_ =	swait.ge [sflag:s13], $0x40  }
0x48: {  	[sflag:s13] =	ssyncset.done $0x0  }
0x49: {  	[sflag:s13] =	ssyncadd.s32 $0xFFFFFFC0  }
0x4a: {  	[smem:s1], [sflag:$0x2] =	stream.linear.gather [spmem:s2], $0x80, $0x38;
	[tilespmem:$0x18C80] =	vst v63  }
0x4b: {  	_ =	swait.ge [sflag:s13], $0x80  }
0x4c: {  	[sflag:s13] =	ssyncset.done $0x0  }
0x4d: {  	[sflag:s13] =	ssyncadd.s32 $0xFFFFFF80  }
0x4e: {  	[smem:s14], [sflag:$0x2] =	stream.linear.gather [spmem:s24], $0x80, $0x38;
	[tilespmem:$0x18C80] =	vst v63  }
0x4f: {  	_ =	swait.ge [sflag:s13], $0x80  }
0x50: {  	[sflag:s13] =	ssyncset.done $0x0  }
0x51: {  	[sflag:s13] =	ssyncadd.s32 $0xFFFFFF80  }
0x52: {  	[smem:s15], [sflag:$0x2] =	stream.linear.gather [spmem:s26], $0x80, $0x38;
	[tilespmem:$0x18C80] =	vst v63  }
0x53: {  	_ =	swait.ge [sflag:s13], $0x80  }
0x54: {  	[sflag:s13] =	ssyncset.done $0x0  }
0x55: {  	[sflag:s13] =	ssyncadd.s32 $0xFFFFFF80  }
0x56: {  	[smem:s16], [sflag:$0x2] =	stream.linear.gather [spmem:s10], $0x80, $0x38;
	[tilespmem:$0x18C80] =	vst v63  }
0x57: {  	_ =	swait.ge [sflag:s13], $0x80  }
0x58: {  	[sflag:s13] =	ssyncset.done $0x0  }
0x59: {  	[sflag:s13] =	ssyncadd.s32 $0xFFFFFF80  }
0x5a: {  	[smem:s17], [sflag:$0x2] =	stream.linear.gather [spmem:s12], $0x80, $0x38;
	[tilespmem:$0x18C80] =	vst v63  }
0x5b: {  	_ =	swait.ge [sflag:s13], $0x80  }
0x5c: {  	[sflag:s13] =	ssyncset.done $0x0  }
0x5d: {  	[sflag:s13] =	ssyncadd.s32 $0xFFFFFF80  }
0x5e: {  	[smem:s18], [sflag:$0x2] =	stream.linear.gather [spmem:s7], $0x80, $0x38;
	[tilespmem:$0x18C80] =	vst v63  }
0x5f: {  	_ =	swait.ge [sflag:s13], $0x80  }
0x60: {  	[sflag:s13] =	ssyncset.done $0x0  }
0x61: {  	[sflag:s13] =	ssyncadd.s32 $0xFFFFFF80  }
0x62: {  	s24 =	sld [smem:$0x280]  }
0x63: {  	s3 =	sld [smem:$0x200]  }
0x64: {  	s4 =	sld [smem:$0x180]  }
0x65: {  	s5 =	sld [smem:$0x100]  }
0x66: {  	s9 =	sld [smem:$0x80]  }
0x67: {  	s10 =	sld [smem:$0x0]  }
0x68: {  	s25 =	simm.s32 $0xCC00;
	s11 =	simm.s32 $0xC00;
	s21 =	simm.s32 $0x8  }
0x69: {  	s22 =	simm.s32 $0x8C00;
	s23 =	simm.s32 $0x14C00;
	s26 =	simm.s32 $0x10C00  }
0x6a: {  	s12 =	simm.s32 $0x4C00;
	s0 =	sshll.u32 s24, $0x4;
	s10 =	sshll.u32 s10, $0x4  }
0x6b: {  	s2 =	sshll.u32 s3, $0x4;
	s9 =	sshll.u32 s9, $0x4;
	s10 =	sand.u32 $0x1FFFFFF0, s10  }
0x6c: {  	s8 =	sshll.u32 s5, $0x4;
	s9 =	sand.u32 $0x1FFFFFF0, s9;
	s10 =	sadd.s32 s28, s10  }
0x6d: {  	[tilespmem:s11], [sflag:$0x1] =	stream.linear.gather [hbm4b:s10+s1], $0x80, $0x38;
	[tilespmem:$0x18C80] =	vst v63  }
0x6e: {  	s3 =	sshll.u32 s4, $0x4;
	s8 =	sand.u32 $0x1FFFFFF0, s8;
	s9 =	sadd.s32 s29, s9  }
0x6f: {  	[tilespmem:s12], [sflag:$0x1] =	stream.linear.gather [hbm4b:s9+s1], $0x80, $0x38;
	[tilespmem:$0x18C80] =	vst v63  }
0x70: {  	s24 =	simm.s32 $0x8C80;
	s3 =	sand.u32 $0x1FFFFFF0, s3;
	s8 =	sadd.s32 s28, s8  }
0x71: {  	[tilespmem:s22], [sflag:$0x1] =	stream.linear.gather [hbm4b:s8+s1], $0x80, $0x38;
	[tilespmem:$0x18C80] =	vst v63  }
0x72: {  	s2 =	sand.u32 $0x1FFFFFF0, s2;
	s10 =	sadd.s32 s28, s3;
	s31 =	sld [smem:$0x281]  }
0x73: {  	[tilespmem:s25], [sflag:$0x1] =	stream.linear.gather [hbm4b:s10+s1], $0x80, $0x38;
	[tilespmem:$0x18C80] =	vst v63  }
0x74: {  	s6 =	sand.u32 $0x1FFFFFF0, s0;
	s2 =	sadd.s32 s29, s2;
	s0 =	sld [smem:$0x201]  }
0x75: {  	s3 =	sadd.s32 s28, s6;
	s9 =	simm.s32 $0xC80;
	s11 =	sld [smem:$0x181]  }
0x76: {  	[tilespmem:s26], [sflag:$0x1] =	stream.linear.gather [hbm4b:s2+s1], $0x80, $0x38;
	[tilespmem:$0x18C80] =	vst v63  }
0x77: {  	s22 =	simm.s32 $0x14C80;
	s8 =	simm.s32 $0x4C80;
	s10 =	sld [smem:$0x101]  }
0x78: {  	s25 =	simm.s32 $0xCC80;
	s26 =	simm.s32 $0x10C80;
	s12 =	sld [smem:$0x81]  }
0x79: {  	s0 =	sshll.u32 s0, $0x4;
	s11 =	sshll.u32 s11, $0x4;
	s2 =	sld [smem:$0x1]  }
.LBB2_2:
0x7a: {  	[tilespmem:s23], [sflag:$0x1] =	stream.linear.gather [hbm4b:s3+s1], $0x80, $0x38;
	[tilespmem:$0x18C80] =	vst v63  }
0x7b: {  	p0 =	sne.s32 s21, $0x1FC;
	s3 =	smov.u32 s21;
	s21 =	sadd.s32 $0x4, s21  }
0x7c: {  	s11 =	sand.u32 $0x1FFFFFF0, s11;
	s23 =	sshll.u32 s31, $0x4;
	s2 =	sshll.u32 s2, $0x4  }
0x7d: {  	s12 =	sshll.u32 s12, $0x4;
	s4 =	sand.u32 $0x1FFFFFF0, s23;
	s2 =	sand.u32 $0x1FFFFFF0, s2  }
0x7e: {  	s10 =	sshll.u32 s10, $0x4;
	s12 =	sand.u32 $0x1FFFFFF0, s12;
	s2 =	sadd.s32 s28, s2  }
0x7f: {  	[tilespmem:s9], [sflag:$0x1] =	stream.linear.gather [hbm4b:s2+s1], $0x80, $0x38;
	[tilespmem:$0x18C80] =	vst v63  }
0x80: {  	s23 =	smov.u32 s22;
	s2 =	sand.u32 $0x1FFFFFF0, s10  }
0x81: {  	s10 =	sadd.s32 s29, s12;
	s2 =	sadd.s32 s28, s2  }
0x82: {  	[tilespmem:s8], [sflag:$0x1] =	stream.linear.gather [hbm4b:s10+s1], $0x80, $0x38;
	[tilespmem:$0x18C80] =	vst v63  }
0x83: {  	s0 =	sand.u32 $0x1FFFFFF0, s0;
	s5 =	sshra.s32 s3, $0x2  }
0x84: {  	[tilespmem:s24], [sflag:$0x1] =	stream.linear.gather [hbm4b:s2+s1], $0x80, $0x38;
	[tilespmem:$0x18C80] =	vst v63  }
0x85: {  	s2 =	sadd.s32 s28, s11;
	s24 =	sadd.s32 $0x80, s24;
	s31 =	sld [smem:s5+$0x280]  }
0x86: {  	[tilespmem:s25], [sflag:$0x1] =	stream.linear.gather [hbm4b:s2+s1], $0x80, $0x38;
	[tilespmem:$0x18C80] =	vst v63  }
0x87: {  	s0 =	sadd.s32 s29, s0;
	s25 =	sadd.s32 $0x80, s25;
	s2 =	sld [smem:s5+$0x200]  }
.Ltmp0:
0x88: {  	s22 =	sadd.s32 $0x80, s22;
	s3 =	sld [smem:s5+$0x180];
	(pc) =	sbr.rel @p0 .LBB2_2-.Ltmp0, $4  }
0x89: {  	[tilespmem:s26], [sflag:$0x1] =	stream.linear.gather [hbm4b:s0+s1], $0x80, $0x38;
	[tilespmem:$0x18C80] =	vst v63  }
0x8a: {  	s26 =	sadd.s32 $0x80, s26;
	s10 =	sld [smem:s5+$0x100];
	s0 =	sshll.u32 s2, $0x4  }
0x8b: {  	s12 =	sld [smem:s5+$0x80];
	s11 =	sshll.u32 s3, $0x4;
	s3 =	sadd.s32 s28, s4  }
0x8c: {  	s9 =	sadd.s32 $0x80, s9;
	s8 =	sadd.s32 $0x80, s8;
	s2 =	sld [smem:s5+$0x0]  }
0x8d: {  	_ = 	snop  }
0x8e: {  	[tilespmem:s23], [sflag:$0x1] =	stream.linear.gather [hbm4b:s3+s1], $0x80, $0x38;
	[tilespmem:$0x18C80] =	vst v63  }
0x8f: {  	s2 =	sshll.u32 s2, $0x4  }
0x90: {  	s12 =	sshll.u32 s12, $0x4;
	s2 =	sand.u32 $0x1FFFFFF0, s2  }
0x91: {  	s4 =	sshll.u32 s10, $0x4;
	s3 =	sand.u32 $0x1FFFFFF0, s12;
	s2 =	sadd.s32 s28, s2  }
0x92: {  	[tilespmem:s9], [sflag:$0x1] =	stream.linear.gather [hbm4b:s2+s1], $0x80, $0x38;
	[tilespmem:$0x18C80] =	vst v63  }
0x93: {  	s21 =	sand.u32 $0x1FFFFFF0, s4;
	s3 =	sadd.s32 s29, s3  }
0x94: {  	[tilespmem:s8], [sflag:$0x1] =	stream.linear.gather [hbm4b:s3+s1], $0x80, $0x38;
	[tilespmem:$0x18C80] =	vst v63  }
0x95: {  	s23 =	sand.u32 $0x1FFFFFF0, s11;
	s2 =	sadd.s32 s28, s21  }
0x96: {  	[tilespmem:s24], [sflag:$0x1] =	stream.linear.gather [hbm4b:s2+s1], $0x80, $0x38;
	[tilespmem:$0x18C80] =	vst v63  }
0x97: {  	s24 =	sadd.s32 s28, s23  }
0x98: {  	[tilespmem:s25], [sflag:$0x1] =	stream.linear.gather [hbm4b:s24+s1], $0x80, $0x38;
	[tilespmem:$0x18C80] =	vst v63  }
0x99: {  	s0 =	sand.u32 $0x1FFFFFF0, s0;
	s25 =	sshll.u32 s31, $0x4  }
0x9a: {  	s0 =	sadd.s32 s29, s0;
	s2 =	sand.u32 $0x1FFFFFF0, s25  }
0x9b: {  	[tilespmem:s26], [sflag:$0x1] =	stream.linear.gather [hbm4b:s0+s1], $0x80, $0x38;
	[tilespmem:$0x18C80] =	vst v63  }
0x9c: {  	s26 =	sadd.s32 s28, s2  }
0x9d: {  	[tilespmem:s22], [sflag:$0x1] =	stream.linear.gather [hbm4b:s26+s1], $0x80, $0x38;
	[tilespmem:$0x18C80] =	vst v63  }
0x9e: {  	_ =	swait.ge [sflag:s19], $0x4000  }
0x9f: {  	[sflag:s19] =	ssyncset.done $0x0  }
0xa0: {  	[sflag:s19] =	ssyncadd.s32 $0xFFFFC000  }
0xa1: {  	_ =	swait.ge [sflag:s19], $0x4000  }
0xa2: {  	[sflag:s19] =	ssyncset.done $0x0  }
0xa3: {  	[sflag:s19] =	ssyncadd.s32 $0xFFFFC000  }
0xa4: {  	_ =	swait.ge [sflag:s19], $0x4000  }
0xa5: {  	[sflag:s19] =	ssyncset.done $0x0  }
0xa6: {  	[sflag:s19] =	ssyncadd.s32 $0xFFFFC000  }
0xa7: {  	_ =	swait.ge [sflag:s19], $0x4000  }
0xa8: {  	[sflag:s19] =	ssyncset.done $0x0  }
0xa9: {  	[sflag:s19] =	ssyncadd.s32 $0xFFFFC000  }
0xaa: {  	_ =	swait.ge [sflag:s19], $0x4000  }
0xab: {  	[sflag:s19] =	ssyncset.done $0x0  }
0xac: {  	[sflag:s19] =	ssyncadd.s32 $0xFFFFC000  }
0xad: {  	_ =	swait.ge [sflag:s19], $0x4000  }
0xae: {  	[sflag:s19] =	ssyncset.done $0x0  }
0xaf: {  	s31 =	simm.s32 $0x0;
	[sflag:s19] =	ssyncadd.s32 $0xFFFFC000  }
0xb0: {  	v3 =	vld [tilespmem:s31+$0x8C00]  }
0xb1: {  	v2 =	vld [tilespmem:s31+$0xC10]  }
0xb2: {  	v4 =	vld [tilespmem:s31+$0x4C10]  }
0xb3: {  	v5 =	vld [tilespmem:s31+$0xCC10]  }
0xb4: {  	v0 =	vld [tilespmem:s31+$0xC00]  }
0xb5: {  	v6 =	vld [tilespmem:s31+$0x4C00]  }
0xb6: {  	v7 =	vld [tilespmem:s31+$0xCC00]  }
0xb7: {  	v8 =	vld [tilespmem:s31+$0x10C00]  }
0xb8: {  	v9 =	vld [tilespmem:s31+$0x10C10]  }
0xb9: {  	v10 =	vld [tilespmem:s31+$0x14C00]  }
0xba: {  	v11 =	vld [tilespmem:s31+$0x8C10]  }
0xbb: {  	s0 =	simm.s32 $0x80;
	v12 =	vld [tilespmem:s31+$0x14C10]  }
0xbc: {  	v1 =	vld [tilespmem:s0+$0x8C00];
	v6 =	vadd.f32 v6, v0;
	v7 =	vadd.f32 v8, v7  }
0xbd: {  	v0 =	vld [tilespmem:s0+$0xC10];
	v4 =	vadd.f32 v4, v2;
	v8 =	vadd.f32 v9, v5  }
0xbe: {  	v2 =	vld [tilespmem:s0+$0x4C10];
	v6 =	vsub.f32 v6, v3;
	v7 =	vsub.f32 v7, v10  }
0xbf: {  	v5 =	vld [tilespmem:s0+$0xC00];
	v9 =	vsub.f32 v4, v11  }
0xc0: {  	v3 =	vld [tilespmem:s0+$0xCC10];
	v11 =	vsub.f32 v8, v12;
	v8 =	vand.u32 $0x7FFFFFFF, v6;
	v7 =	vand.u32 $0x7FFFFFFF, v7  }
0xc1: {  	v6 =	vld [tilespmem:s0+$0x4C00];
	v10 =	vsub.f32 v7, v8  }
0xc2: {  	s8 =	simm.s32 $0x400;
	v4 =	vimm.f32 $0.0e+00;
	v7 =	vld [tilespmem:s0+$0xCC00];
	v8 =	vand.u32 $0x7FFFFFFF, v9;
	v9 =	vand.u32 $0x7FFFFFFF, v11  }
.LBB2_4:
0xc3: {  	p0 =	sne.s32 s8, $0xFE00;
	v11 =	vld [tilespmem:s0+$0x10C00];
	v4 =	vadd.f32 v10, v4;
	v8 =	vsub.f32 v9, v8  }
0xc4: {  	v9 =	vld [tilespmem:s0+$0x10C10]  }
0xc5: {  	v10 =	vld [tilespmem:s0+$0x14C00];
	v4 =	vadd.f32 v8, v4  }
0xc6: {  	v8 =	vld [tilespmem:s0+$0x8C10]  }
0xc7: {  	v12 =	vld [tilespmem:s0+$0x14C10];
	s0 =	sshra.s32 s8, $0x2  }
0xc8: {  	v5 =	vadd.f32 v6, v5;
	v13 =	vld [tilespmem:s0+$0x8C00];
	v6 =	vadd.f32 v11, v7  }
0xc9: {  	v7 =	vadd.f32 v2, v0;
	v0 =	vld [tilespmem:s0+$0xC10];
	v9 =	vadd.f32 v9, v3  }
.Ltmp1:
0xca: {  	v14 =	vsub.f32 v5, v1;
	v2 =	vld [tilespmem:s0+$0x4C10];
	v6 =	vsub.f32 v6, v10;
	(pc) =	sbr.rel @p0 .LBB2_4-.Ltmp1, $4  }
0xcb: {  	v3 =	vld [tilespmem:s0+$0xCC10];
	v8 =	vsub.f32 v7, v8  }
0xcc: {  	v11 =	vand.u32 $0x7FFFFFFF, v14;
	v5 =	vld [tilespmem:s0+$0xC00];
	v7 =	vand.u32 $0x7FFFFFFF, v6;
	v9 =	vsub.f32 v9, v12  }
0xcd: {  	v6 =	vld [tilespmem:s0+$0x4C00];
	v10 =	vsub.f32 v7, v11;
	v1 =	vmov v13  }
0xce: {  	s8 =	sadd.s32 $0x200, s8;
	v8 =	vand.u32 $0x7FFFFFFF, v8;
	v7 =	vld [tilespmem:s0+$0xCC00];
	v9 =	vand.u32 $0x7FFFFFFF, v9  }
0xcf: {  	v11 =	vld [tilespmem:s0+$0x10C00]  }
0xd0: {  	v12 =	vld [tilespmem:s0+$0x10C10]  }
0xd1: {  	v13 =	vld [tilespmem:s0+$0x14C00];
	s2 =	simm.s32 $0x0;
	s12 =	rddreg [dreg:$0xd]  }
0xd2: {  	v14 =	vld [tilespmem:s0+$0x8C10];
	[smem:s2], [sflag:$0x2] =	stream.linear.gather [spmem:s12], $0x80, $0x38  }
0xd3: {  	v15 =	vld [tilespmem:s0+$0x14C10];
	_ =	swait.ge [sflag:s13], $0x80  }
0xd4: {  	[sflag:s13] =	ssyncset.done $0x0  }
0xd5: {  	s21 =	rddreg [dreg:$0xe];
	[sflag:s13] =	ssyncadd.s32 $0xFFFFFF80  }
0xd6: {  	[smem:s14], [sflag:$0x2] =	stream.linear.gather [spmem:s21], $0x80, $0x38;
	[tilespmem:$0x18C80] =	vst v63  }
0xd7: {  	_ =	swait.ge [sflag:s13], $0x80  }
0xd8: {  	[sflag:s13] =	ssyncset.done $0x0  }
0xd9: {  	s22 =	rddreg [dreg:$0xf];
	[sflag:s13] =	ssyncadd.s32 $0xFFFFFF80  }
0xda: {  	[smem:s15], [sflag:$0x2] =	stream.linear.gather [spmem:s22], $0x80, $0x38;
	[tilespmem:$0x18C80] =	vst v63  }
0xdb: {  	_ =	swait.ge [sflag:s13], $0x80  }
0xdc: {  	[sflag:s13] =	ssyncset.done $0x0  }
0xdd: {  	s23 =	rddreg [dreg:$0x10];
	[sflag:s13] =	ssyncadd.s32 $0xFFFFFF80  }
0xde: {  	[smem:s16], [sflag:$0x2] =	stream.linear.gather [spmem:s23], $0x80, $0x38;
	[tilespmem:$0x18C80] =	vst v63  }
0xdf: {  	_ =	swait.ge [sflag:s13], $0x80  }
0xe0: {  	[sflag:s13] =	ssyncset.done $0x0  }
0xe1: {  	s24 =	rddreg [dreg:$0x11];
	[sflag:s13] =	ssyncadd.s32 $0xFFFFFF80  }
0xe2: {  	[smem:s17], [sflag:$0x2] =	stream.linear.gather [spmem:s24], $0x80, $0x38;
	[tilespmem:$0x18C80] =	vst v63  }
0xe3: {  	_ =	swait.ge [sflag:s13], $0x80  }
0xe4: {  	[sflag:s13] =	ssyncset.done $0x0  }
0xe5: {  	s25 =	rddreg [dreg:$0x12];
	[sflag:s13] =	ssyncadd.s32 $0xFFFFFF80  }
0xe6: {  	[smem:s18], [sflag:$0x2] =	stream.linear.gather [spmem:s25], $0x80, $0x38;
	[tilespmem:$0x18C80] =	vst v63  }
0xe7: {  	_ =	swait.ge [sflag:s13], $0x80  }
0xe8: {  	[sflag:s13] =	ssyncset.done $0x0  }
0xe9: {  	[sflag:s13] =	ssyncadd.s32 $0xFFFFFF80  }
0xea: {  	s26 =	sld [smem:$0x280]  }
0xeb: {  	s6 =	sld [smem:$0x200]  }
0xec: {  	s3 =	sld [smem:$0x180]  }
0xed: {  	s4 =	sld [smem:$0x100]  }
0xee: {  	s5 =	sld [smem:$0x80]  }
0xef: {  	s8 =	sld [smem:$0x0]  }
0xf0: {  	s9 =	simm.s32 $0xC00;
	s10 =	simm.s32 $0x4C00;
	s11 =	simm.s32 $0x8C00  }
0xf1: {  	s31 =	simm.s32 $0x10C00;
	s12 =	simm.s32 $0xCC00;
	s21 =	simm.s32 $0x8  }
0xf2: {  	s22 =	simm.s32 $0x8C80;
	s24 =	simm.s32 $0x14C80;
	s8 =	sshll.u32 s8, $0x4  }
0xf3: {  	s25 =	simm.s32 $0x14C00;
	s5 =	sshll.u32 s5, $0x4;
	s8 =	sand.u32 $0x1FFFFFF0, s8  }
0xf4: {  	s4 =	sshll.u32 s4, $0x4;
	s5 =	sand.u32 $0x1FFFFFF0, s5;
	s8 =	sadd.s32 s28, s8  }
0xf5: {  	[tilespmem:s9], [sflag:$0x1] =	stream.linear.gather [hbm4b:s8+s1], $0x80, $0x38;
	[tilespmem:$0x18C80] =	vst v63  }
0xf6: {  	v4 =	vadd.f32 v10, v4;
	s3 =	sshll.u32 s3, $0x4;
	s4 =	sand.u32 $0x1FFFFFF0, s4;
	s5 =	sadd.s32 s29, s5  }
0xf7: {  	v5 =	vadd.f32 v6, v5;
	v62 =	vadd.f32 v11, v7;
	[tilespmem:s10], [sflag:$0x1] =	stream.linear.gather [hbm4b:s5+s1], $0x80, $0x38;
	[tilespmem:$0x18C80] =	vst v63  }
0xf8: {  	v0 =	vadd.f32 v2, v0;
	v2 =	vadd.f32 v12, v3;
	s0 =	sshll.u32 s26, $0x4;
	s3 =	sand.u32 $0x1FFFFFF0, s3;
	s9 =	sadd.s32 s28, s4  }
0xf9: {  	v1 =	vsub.f32 v5, v1;
	v3 =	vsub.f32 v62, v13;
	[tilespmem:s11], [sflag:$0x1] =	stream.linear.gather [hbm4b:s9+s1], $0x80, $0x38;
	[tilespmem:$0x18C80] =	vst v63  }
0xfa: {  	v63 =	vsub.f32 v9, v8;
	v0 =	vsub.f32 v0, v14;
	s2 =	sshll.u32 s6, $0x4;
	s10 =	sadd.s32 s28, s3;
	s23 =	sld [smem:$0x281]  }
0xfb: {  	v1 =	vand.u32 $0x7FFFFFFF, v1;
	v2 =	vsub.f32 v2, v15;
	v3 =	vand.u32 $0x7FFFFFFF, v3;
	[tilespmem:s12], [sflag:$0x1] =	stream.linear.gather [hbm4b:s10+s1], $0x80, $0x38;
	[tilespmem:$0x18C80] =	vst v63  }
0xfc: {  	v4 =	vadd.f32 v63, v4;
	v1 =	vsub.f32 v3, v1;
	s2 =	sand.u32 $0x1FFFFFF0, s2;
	s8 =	sand.u32 $0x1FFFFFF0, s0;
	s0 =	sld [smem:$0x201]  }
0xfd: {  	v0 =	vand.u32 $0x7FFFFFFF, v0;
	v2 =	vand.u32 $0x7FFFFFFF, v2;
	s26 =	simm.s32 $0xCC80;
	s2 =	sadd.s32 s29, s2;
	s11 =	sld [smem:$0x181]  }
0xfe: {  	v0 =	vsub.f32 v2, v0;
	v1 =	vadd.f32 v1, v4;
	[tilespmem:s31], [sflag:$0x1] =	stream.linear.gather [hbm4b:s2+s1], $0x80, $0x38;
	[tilespmem:$0x18C80] =	vst v63  }
0xff: {  	s3 =	sadd.s32 s28, s8;
	s8 =	simm.s32 $0x4C80;
	s10 =	sld [smem:$0x101]  }
0x100: {  	v0 =	vadd.f32 v0, v1;
	s9 =	simm.s32 $0xC80;
	s31 =	simm.s32 $0x10C80;
	s12 =	sld [smem:$0x81]  }
0x101: {  	s0 =	sshll.u32 s0, $0x4;
	s11 =	sshll.u32 s11, $0x4;
	s2 =	sld [smem:$0x1]  }
.LBB2_6:
0x102: {  	[tilespmem:s25], [sflag:$0x1] =	stream.linear.gather [hbm4b:s3+s1], $0x80, $0x38;
	[tilespmem:$0x18C80] =	vst v63  }
0x103: {  	p0 =	sne.s32 s21, $0x1FC;
	s3 =	smov.u32 s21;
	s21 =	sadd.s32 $0x4, s21  }
0x104: {  	s4 =	sand.u32 $0x1FFFFFF0, s11;
	s5 =	sshll.u32 s23, $0x4;
	s2 =	sshll.u32 s2, $0x4  }
0x105: {  	s11 =	sshll.u32 s12, $0x4;
	s5 =	sand.u32 $0x1FFFFFF0, s5;
	s2 =	sand.u32 $0x1FFFFFF0, s2  }
0x106: {  	s10 =	sshll.u32 s10, $0x4;
	s11 =	sand.u32 $0x1FFFFFF0, s11;
	s2 =	sadd.s32 s28, s2  }
0x107: {  	[tilespmem:s9], [sflag:$0x1] =	stream.linear.gather [hbm4b:s2+s1], $0x80, $0x38;
	[tilespmem:$0x18C80] =	vst v63  }
0x108: {  	s25 =	smov.u32 s24;
	s2 =	sand.u32 $0x1FFFFFF0, s10  }
0x109: {  	s10 =	sadd.s32 s29, s11;
	s2 =	sadd.s32 s28, s2  }
0x10a: {  	[tilespmem:s8], [sflag:$0x1] =	stream.linear.gather [hbm4b:s10+s1], $0x80, $0x38;
	[tilespmem:$0x18C80] =	vst v63  }
0x10b: {  	s0 =	sand.u32 $0x1FFFFFF0, s0;
	s6 =	sshra.s32 s3, $0x2  }
0x10c: {  	[tilespmem:s22], [sflag:$0x1] =	stream.linear.gather [hbm4b:s2+s1], $0x80, $0x38;
	[tilespmem:$0x18C80] =	vst v63  }
0x10d: {  	s2 =	sadd.s32 s28, s4;
	s22 =	sadd.s32 $0x80, s22;
	s23 =	sld [smem:s6+$0x280]  }
0x10e: {  	[tilespmem:s26], [sflag:$0x1] =	stream.linear.gather [hbm4b:s2+s1], $0x80, $0x38;
	[tilespmem:$0x18C80] =	vst v63  }
0x10f: {  	s24 =	sadd.s32 $0x80, s24;
	s26 =	sadd.s32 $0x80, s26;
	s2 =	sld [smem:s6+$0x200]  }
.Ltmp2:
0x110: {  	s0 =	sadd.s32 s29, s0;
	s3 =	sld [smem:s6+$0x180];
	(pc) =	sbr.rel @p0 .LBB2_6-.Ltmp2, $4  }
0x111: {  	[tilespmem:s31], [sflag:$0x1] =	stream.linear.gather [hbm4b:s0+s1], $0x80, $0x38;
	[tilespmem:$0x18C80] =	vst v63  }
0x112: {  	s31 =	sadd.s32 $0x80, s31;
	s10 =	sld [smem:s6+$0x100];
	s0 =	sshll.u32 s2, $0x4  }
0x113: {  	s12 =	sld [smem:s6+$0x80];
	s11 =	sshll.u32 s3, $0x4;
	s3 =	sadd.s32 s28, s5  }
0x114: {  	s9 =	sadd.s32 $0x80, s9;
	s8 =	sadd.s32 $0x80, s8;
	s2 =	sld [smem:s6+$0x0]  }
0x115: {  	_ = 	snop  }
0x116: {  	[tilespmem:s25], [sflag:$0x1] =	stream.linear.gather [hbm4b:s3+s1], $0x80, $0x38;
	[tilespmem:$0x18C80] =	vst v63  }
0x117: {  	s2 =	sshll.u32 s2, $0x4  }
0x118: {  	s6 =	sshll.u32 s12, $0x4;
	s2 =	sand.u32 $0x1FFFFFF0, s2  }
0x119: {  	s4 =	sshll.u32 s10, $0x4;
	s3 =	sand.u32 $0x1FFFFFF0, s6;
	s2 =	sadd.s32 s28, s2  }
0x11a: {  	[tilespmem:s9], [sflag:$0x1] =	stream.linear.gather [hbm4b:s2+s1], $0x80, $0x38;
	[tilespmem:$0x18C80] =	vst v63  }
0x11b: {  	s12 =	sand.u32 $0x1FFFFFF0, s4;
	s3 =	sadd.s32 s29, s3  }
0x11c: {  	[tilespmem:s8], [sflag:$0x1] =	stream.linear.gather [hbm4b:s3+s1], $0x80, $0x38;
	[tilespmem:$0x18C80] =	vst v63  }
0x11d: {  	s21 =	sand.u32 $0x1FFFFFF0, s11;
	s2 =	sadd.s32 s28, s12  }
0x11e: {  	[tilespmem:s22], [sflag:$0x1] =	stream.linear.gather [hbm4b:s2+s1], $0x80, $0x38;
	[tilespmem:$0x18C80] =	vst v63  }
0x11f: {  	s25 =	sshll.u32 s23, $0x4;
	s0 =	sand.u32 $0x1FFFFFF0, s0;
	s22 =	sadd.s32 s28, s21  }
0x120: {  	[tilespmem:s26], [sflag:$0x1] =	stream.linear.gather [hbm4b:s22+s1], $0x80, $0x38;
	[tilespmem:$0x18C80] =	vst v63  }
0x121: {  	s0 =	sadd.s32 s29, s0;
	s2 =	sand.u32 $0x1FFFFFF0, s25  }
0x122: {  	[tilespmem:s31], [sflag:$0x1] =	stream.linear.gather [hbm4b:s0+s1], $0x80, $0x38;
	[tilespmem:$0x18C80] =	vst v63  }
0x123: {  	s26 =	sadd.s32 s28, s2  }
0x124: {  	[tilespmem:s24], [sflag:$0x1] =	stream.linear.gather [hbm4b:s26+s1], $0x80, $0x38;
	[tilespmem:$0x18C80] =	vst v63  }
0x125: {  	_ =	swait.ge [sflag:s19], $0x4000  }
0x126: {  	[sflag:s19] =	ssyncset.done $0x0  }
0x127: {  	[sflag:s19] =	ssyncadd.s32 $0xFFFFC000  }
0x128: {  	_ =	swait.ge [sflag:s19], $0x4000  }
0x129: {  	[sflag:s19] =	ssyncset.done $0x0  }
0x12a: {  	[sflag:s19] =	ssyncadd.s32 $0xFFFFC000  }
0x12b: {  	_ =	swait.ge [sflag:s19], $0x4000  }
0x12c: {  	[sflag:s19] =	ssyncset.done $0x0  }
0x12d: {  	[sflag:s19] =	ssyncadd.s32 $0xFFFFC000  }
0x12e: {  	_ =	swait.ge [sflag:s19], $0x4000  }
0x12f: {  	[sflag:s19] =	ssyncset.done $0x0  }
0x130: {  	[sflag:s19] =	ssyncadd.s32 $0xFFFFC000  }
0x131: {  	_ =	swait.ge [sflag:s19], $0x4000  }
0x132: {  	[sflag:s19] =	ssyncset.done $0x0  }
0x133: {  	[sflag:s19] =	ssyncadd.s32 $0xFFFFC000  }
0x134: {  	_ =	swait.ge [sflag:s19], $0x4000  }
0x135: {  	[sflag:s19] =	ssyncset.done $0x0  }
0x136: {  	s31 =	simm.s32 $0x0;
	[sflag:s19] =	ssyncadd.s32 $0xFFFFC000  }
0x137: {  	v4 =	vld [tilespmem:s31+$0x8C00]  }
0x138: {  	v3 =	vld [tilespmem:s31+$0xC10]  }
0x139: {  	v5 =	vld [tilespmem:s31+$0x4C10]  }
0x13a: {  	v6 =	vld [tilespmem:s31+$0xCC10]  }
0x13b: {  	v1 =	vld [tilespmem:s31+$0xC00]  }
0x13c: {  	v7 =	vld [tilespmem:s31+$0x4C00]  }
0x13d: {  	v8 =	vld [tilespmem:s31+$0xCC00]  }
0x13e: {  	v9 =	vld [tilespmem:s31+$0x10C00]  }
0x13f: {  	v10 =	vld [tilespmem:s31+$0x10C10]  }
0x140: {  	v11 =	vld [tilespmem:s31+$0x14C00]  }
0x141: {  	v12 =	vld [tilespmem:s31+$0x8C10]  }
0x142: {  	s0 =	simm.s32 $0x80;
	v13 =	vld [tilespmem:s31+$0x14C10]  }
0x143: {  	v2 =	vld [tilespmem:s0+$0x8C00];
	v7 =	vadd.f32 v7, v1;
	v8 =	vadd.f32 v9, v8  }
0x144: {  	v1 =	vld [tilespmem:s0+$0xC10];
	v5 =	vadd.f32 v5, v3;
	v6 =	vadd.f32 v10, v6  }
0x145: {  	v3 =	vld [tilespmem:s0+$0x4C10];
	v7 =	vsub.f32 v7, v4;
	v8 =	vsub.f32 v8, v11  }
0x146: {  	v4 =	vld [tilespmem:s0+$0xCC10];
	v9 =	vsub.f32 v5, v12  }
0x147: {  	v5 =	vld [tilespmem:s0+$0xC00];
	v11 =	vsub.f32 v6, v13;
	v7 =	vand.u32 $0x7FFFFFFF, v7;
	v8 =	vand.u32 $0x7FFFFFFF, v8  }
0x148: {  	v6 =	vld [tilespmem:s0+$0x4C00];
	v10 =	vsub.f32 v8, v7  }
0x149: {  	s8 =	simm.s32 $0x400;
	v7 =	vld [tilespmem:s0+$0xCC00];
	v8 =	vand.u32 $0x7FFFFFFF, v9;
	v9 =	vand.u32 $0x7FFFFFFF, v11  }
.LBB2_8:
0x14a: {  	p0 =	sne.s32 s8, $0xFE00;
	v11 =	vld [tilespmem:s0+$0x10C00];
	v0 =	vadd.f32 v10, v0;
	v8 =	vsub.f32 v9, v8  }
0x14b: {  	v9 =	vld [tilespmem:s0+$0x10C10]  }
0x14c: {  	v10 =	vld [tilespmem:s0+$0x14C00];
	v0 =	vadd.f32 v8, v0  }
0x14d: {  	v8 =	vld [tilespmem:s0+$0x8C10]  }
0x14e: {  	v12 =	vld [tilespmem:s0+$0x14C10];
	s0 =	sshra.s32 s8, $0x2  }
0x14f: {  	v5 =	vadd.f32 v6, v5;
	v13 =	vld [tilespmem:s0+$0x8C00];
	v6 =	vadd.f32 v11, v7  }
0x150: {  	v7 =	vadd.f32 v3, v1;
	v1 =	vld [tilespmem:s0+$0xC10];
	v9 =	vadd.f32 v9, v4  }
.Ltmp3:
0x151: {  	v14 =	vsub.f32 v5, v2;
	v3 =	vld [tilespmem:s0+$0x4C10];
	v6 =	vsub.f32 v6, v10;
	(pc) =	sbr.rel @p0 .LBB2_8-.Ltmp3, $4  }
0x152: {  	v4 =	vld [tilespmem:s0+$0xCC10];
	v8 =	vsub.f32 v7, v8  }
0x153: {  	v11 =	vand.u32 $0x7FFFFFFF, v14;
	v5 =	vld [tilespmem:s0+$0xC00];
	v7 =	vand.u32 $0x7FFFFFFF, v6;
	v9 =	vsub.f32 v9, v12  }
0x154: {  	v6 =	vld [tilespmem:s0+$0x4C00];
	v10 =	vsub.f32 v7, v11;
	v2 =	vmov v13  }
0x155: {  	s8 =	sadd.s32 $0x200, s8;
	v8 =	vand.u32 $0x7FFFFFFF, v8;
	v7 =	vld [tilespmem:s0+$0xCC00];
	v9 =	vand.u32 $0x7FFFFFFF, v9  }
0x156: {  	v11 =	vld [tilespmem:s0+$0x10C00]  }
0x157: {  	v12 =	vld [tilespmem:s0+$0x10C10]  }
0x158: {  	v13 =	vld [tilespmem:s0+$0x14C00];
	s2 =	simm.s32 $0x0;
	s10 =	rddreg [dreg:$0x13]  }
0x159: {  	v14 =	vld [tilespmem:s0+$0x8C10];
	[smem:s2], [sflag:$0x2] =	stream.linear.gather [spmem:s10], $0x80, $0x38  }
0x15a: {  	v15 =	vld [tilespmem:s0+$0x14C10];
	_ =	swait.ge [sflag:s13], $0x80  }
0x15b: {  	[sflag:s13] =	ssyncset.done $0x0  }
0x15c: {  	s11 =	rddreg [dreg:$0x14];
	[sflag:s13] =	ssyncadd.s32 $0xFFFFFF80  }
0x15d: {  	[smem:s14], [sflag:$0x2] =	stream.linear.gather [spmem:s11], $0x80, $0x38;
	[tilespmem:$0x18C80] =	vst v63  }
0x15e: {  	_ =	swait.ge [sflag:s13], $0x80  }
0x15f: {  	[sflag:s13] =	ssyncset.done $0x0  }
0x160: {  	s12 =	rddreg [dreg:$0x15];
	[sflag:s13] =	ssyncadd.s32 $0xFFFFFF80  }
0x161: {  	[smem:s15], [sflag:$0x2] =	stream.linear.gather [spmem:s12], $0x80, $0x38;
	[tilespmem:$0x18C80] =	vst v63  }
0x162: {  	_ =	swait.ge [sflag:s13], $0x80  }
0x163: {  	[sflag:s13] =	ssyncset.done $0x0  }
0x164: {  	s21 =	rddreg [dreg:$0x16];
	[sflag:s13] =	ssyncadd.s32 $0xFFFFFF80  }
0x165: {  	[smem:s16], [sflag:$0x2] =	stream.linear.gather [spmem:s21], $0x80, $0x38;
	[tilespmem:$0x18C80] =	vst v63  }
0x166: {  	_ =	swait.ge [sflag:s13], $0x80  }
0x167: {  	[sflag:s13] =	ssyncset.done $0x0  }
0x168: {  	s22 =	rddreg [dreg:$0x17];
	[sflag:s13] =	ssyncadd.s32 $0xFFFFFF80  }
0x169: {  	[smem:s17], [sflag:$0x2] =	stream.linear.gather [spmem:s22], $0x80, $0x38;
	[tilespmem:$0x18C80] =	vst v63  }
0x16a: {  	_ =	swait.ge [sflag:s13], $0x80  }
0x16b: {  	[sflag:s13] =	ssyncset.done $0x0  }
0x16c: {  	s23 =	rddreg [dreg:$0x18];
	[sflag:s13] =	ssyncadd.s32 $0xFFFFFF80  }
0x16d: {  	[smem:s18], [sflag:$0x2] =	stream.linear.gather [spmem:s23], $0x80, $0x38;
	[tilespmem:$0x18C80] =	vst v63  }
0x16e: {  	_ =	swait.ge [sflag:s13], $0x80  }
0x16f: {  	[sflag:s13] =	ssyncset.done $0x0  }
0x170: {  	[sflag:s13] =	ssyncadd.s32 $0xFFFFFF80  }
0x171: {  	s24 =	sld [smem:$0x280]  }
0x172: {  	s26 =	sld [smem:$0x200]  }
0x173: {  	s3 =	sld [smem:$0x180]  }
0x174: {  	s4 =	sld [smem:$0x100]  }
0x175: {  	s5 =	sld [smem:$0x80]  }
0x176: {  	s6 =	sld [smem:$0x0]  }
0x177: {  	s8 =	simm.s32 $0xC00;
	s9 =	simm.s32 $0x4C00;
	s25 =	simm.s32 $0x14C00  }
0x178: {  	s31 =	simm.s32 $0x10C80;
	s10 =	simm.s32 $0x8C00;
	s11 =	simm.s32 $0xCC00  }
0x179: {  	s12 =	simm.s32 $0x10C00;
	s21 =	simm.s32 $0x8;
	s6 =	sshll.u32 s6, $0x4  }
0x17a: {  	s22 =	simm.s32 $0x8C80;
	s5 =	sshll.u32 s5, $0x4;
	s6 =	sand.u32 $0x1FFFFFF0, s6  }
0x17b: {  	s4 =	sshll.u32 s4, $0x4;
	s5 =	sand.u32 $0x1FFFFFF0, s5;
	s6 =	sadd.s32 s28, s6  }
0x17c: {  	[tilespmem:s8], [sflag:$0x1] =	stream.linear.gather [hbm4b:s6+s1], $0x80, $0x38;
	[tilespmem:$0x18C80] =	vst v63  }
0x17d: {  	v0 =	vadd.f32 v10, v0;
	s3 =	sshll.u32 s3, $0x4;
	s4 =	sand.u32 $0x1FFFFFF0, s4;
	s5 =	sadd.s32 s29, s5  }
0x17e: {  	v5 =	vadd.f32 v6, v5;
	v61 =	vadd.f32 v11, v7;
	[tilespmem:s9], [sflag:$0x1] =	stream.linear.gather [hbm4b:s5+s1], $0x80, $0x38;
	[tilespmem:$0x18C80] =	vst v63  }
0x17f: {  	v1 =	vadd.f32 v3, v1;
	v3 =	vadd.f32 v12, v4;
	s0 =	sshll.u32 s24, $0x4;
	s3 =	sand.u32 $0x1FFFFFF0, s3;
	s9 =	sadd.s32 s28, s4  }
0x180: {  	v2 =	vsub.f32 v5, v2;
	v62 =	vsub.f32 v61, v13;
	[tilespmem:s10], [sflag:$0x1] =	stream.linear.gather [hbm4b:s9+s1], $0x80, $0x38;
	[tilespmem:$0x18C80] =	vst v63  }
0x181: {  	v63 =	vsub.f32 v9, v8;
	v1 =	vsub.f32 v1, v14;
	s2 =	sshll.u32 s26, $0x4;
	s10 =	sadd.s32 s28, s3;
	s23 =	sld [smem:$0x281]  }
0x182: {  	v2 =	vand.u32 $0x7FFFFFFF, v2;
	v3 =	vsub.f32 v3, v15;
	v4 =	vand.u32 $0x7FFFFFFF, v62;
	[tilespmem:s11], [sflag:$0x1] =	stream.linear.gather [hbm4b:s10+s1], $0x80, $0x38;
	[tilespmem:$0x18C80] =	vst v63  }
0x183: {  	v0 =	vadd.f32 v63, v0;
	v2 =	vsub.f32 v4, v2;
	s2 =	sand.u32 $0x1FFFFFF0, s2;
	s8 =	sand.u32 $0x1FFFFFF0, s0;
	s0 =	sld [smem:$0x201]  }
0x184: {  	v1 =	vand.u32 $0x7FFFFFFF, v1;
	v3 =	vand.u32 $0x7FFFFFFF, v3;
	s24 =	simm.s32 $0x14C80;
	s2 =	sadd.s32 s29, s2;
	s11 =	sld [smem:$0x181]  }
0x185: {  	v1 =	vsub.f32 v3, v1;
	v0 =	vadd.f32 v2, v0;
	[tilespmem:s12], [sflag:$0x1] =	stream.linear.gather [hbm4b:s2+s1], $0x80, $0x38;
	[tilespmem:$0x18C80] =	vst v63  }
0x186: {  	s26 =	simm.s32 $0xCC80;
	s3 =	sadd.s32 s28, s8;
	s10 =	sld [smem:$0x101]  }
0x187: {  	v0 =	vadd.f32 v1, v0;
	s9 =	simm.s32 $0xC80;
	s8 =	simm.s32 $0x4C80;
	s12 =	sld [smem:$0x81]  }
0x188: {  	s0 =	sshll.u32 s0, $0x4;
	s11 =	sshll.u32 s11, $0x4;
	s2 =	sld [smem:$0x1]  }
.LBB2_10:
0x189: {  	[tilespmem:s25], [sflag:$0x1] =	stream.linear.gather [hbm4b:s3+s1], $0x80, $0x38;
	[tilespmem:$0x18C80] =	vst v63  }
0x18a: {  	p0 =	sne.s32 s21, $0x1FC;
	s3 =	smov.u32 s21;
	s21 =	sadd.s32 $0x4, s21  }
0x18b: {  	s4 =	sand.u32 $0x1FFFFFF0, s11;
	s5 =	sshll.u32 s23, $0x4;
	s2 =	sshll.u32 s2, $0x4  }
0x18c: {  	s6 =	sshll.u32 s12, $0x4;
	s5 =	sand.u32 $0x1FFFFFF0, s5;
	s2 =	sand.u32 $0x1FFFFFF0, s2  }
0x18d: {  	s10 =	sshll.u32 s10, $0x4;
	s6 =	sand.u32 $0x1FFFFFF0, s6;
	s2 =	sadd.s32 s28, s2  }
0x18e: {  	[tilespmem:s9], [sflag:$0x1] =	stream.linear.gather [hbm4b:s2+s1], $0x80, $0x38;
	[tilespmem:$0x18C80] =	vst v63  }
0x18f: {  	s25 =	smov.u32 s24;
	s2 =	sand.u32 $0x1FFFFFF0, s10  }
0x190: {  	s6 =	sadd.s32 s29, s6;
	s2 =	sadd.s32 s28, s2  }
0x191: {  	[tilespmem:s8], [sflag:$0x1] =	stream.linear.gather [hbm4b:s6+s1], $0x80, $0x38;
	[tilespmem:$0x18C80] =	vst v63  }
0x192: {  	s0 =	sand.u32 $0x1FFFFFF0, s0;
	s6 =	sshra.s32 s3, $0x2  }
0x193: {  	[tilespmem:s22], [sflag:$0x1] =	stream.linear.gather [hbm4b:s2+s1], $0x80, $0x38;
	[tilespmem:$0x18C80] =	vst v63  }
0x194: {  	s2 =	sadd.s32 s28, s4;
	s22 =	sadd.s32 $0x80, s22;
	s23 =	sld [smem:s6+$0x280]  }
0x195: {  	[tilespmem:s26], [sflag:$0x1] =	stream.linear.gather [hbm4b:s2+s1], $0x80, $0x38;
	[tilespmem:$0x18C80] =	vst v63  }
0x196: {  	s24 =	sadd.s32 $0x80, s24;
	s26 =	sadd.s32 $0x80, s26;
	s2 =	sld [smem:s6+$0x200]  }
.Ltmp4:
0x197: {  	s0 =	sadd.s32 s29, s0;
	s3 =	sld [smem:s6+$0x180];
	(pc) =	sbr.rel @p0 .LBB2_10-.Ltmp4, $4  }
0x198: {  	[tilespmem:s31], [sflag:$0x1] =	stream.linear.gather [hbm4b:s0+s1], $0x80, $0x38;
	[tilespmem:$0x18C80] =	vst v63  }
0x199: {  	s31 =	sadd.s32 $0x80, s31;
	s10 =	sld [smem:s6+$0x100];
	s0 =	sshll.u32 s2, $0x4  }
0x19a: {  	s12 =	sld [smem:s6+$0x80];
	s11 =	sshll.u32 s3, $0x4;
	s3 =	sadd.s32 s28, s5  }
0x19b: {  	s9 =	sadd.s32 $0x80, s9;
	s8 =	sadd.s32 $0x80, s8;
	s2 =	sld [smem:s6+$0x0]  }
0x19c: {  	_ = 	snop  }
0x19d: {  	[tilespmem:s25], [sflag:$0x1] =	stream.linear.gather [hbm4b:s3+s1], $0x80, $0x38;
	[tilespmem:$0x18C80] =	vst v63  }
0x19e: {  	s2 =	sshll.u32 s2, $0x4  }
0x19f: {  	s6 =	sshll.u32 s12, $0x4;
	s2 =	sand.u32 $0x1FFFFFF0, s2  }
0x1a0: {  	s4 =	sshll.u32 s10, $0x4;
	s3 =	sand.u32 $0x1FFFFFF0, s6;
	s2 =	sadd.s32 s28, s2  }
0x1a1: {  	[tilespmem:s9], [sflag:$0x1] =	stream.linear.gather [hbm4b:s2+s1], $0x80, $0x38;
	[tilespmem:$0x18C80] =	vst v63  }
0x1a2: {  	s12 =	sand.u32 $0x1FFFFFF0, s4;
	s3 =	sadd.s32 s29, s3  }
0x1a3: {  	[tilespmem:s8], [sflag:$0x1] =	stream.linear.gather [hbm4b:s3+s1], $0x80, $0x38;
	[tilespmem:$0x18C80] =	vst v63  }
0x1a4: {  	s21 =	sand.u32 $0x1FFFFFF0, s11;
	s2 =	sadd.s32 s28, s12  }
0x1a5: {  	[tilespmem:s22], [sflag:$0x1] =	stream.linear.gather [hbm4b:s2+s1], $0x80, $0x38;
	[tilespmem:$0x18C80] =	vst v63  }
0x1a6: {  	s25 =	sshll.u32 s23, $0x4;
	s0 =	sand.u32 $0x1FFFFFF0, s0;
	s22 =	sadd.s32 s28, s21  }
0x1a7: {  	[tilespmem:s26], [sflag:$0x1] =	stream.linear.gather [hbm4b:s22+s1], $0x80, $0x38;
	[tilespmem:$0x18C80] =	vst v63  }
0x1a8: {  	s0 =	sadd.s32 s29, s0;
	s2 =	sand.u32 $0x1FFFFFF0, s25  }
0x1a9: {  	[tilespmem:s31], [sflag:$0x1] =	stream.linear.gather [hbm4b:s0+s1], $0x80, $0x38;
	[tilespmem:$0x18C80] =	vst v63  }
0x1aa: {  	s26 =	sadd.s32 s28, s2  }
0x1ab: {  	[tilespmem:s24], [sflag:$0x1] =	stream.linear.gather [hbm4b:s26+s1], $0x80, $0x38;
	[tilespmem:$0x18C80] =	vst v63  }
0x1ac: {  	_ =	swait.ge [sflag:s19], $0x4000  }
0x1ad: {  	[sflag:s19] =	ssyncset.done $0x0  }
0x1ae: {  	[sflag:s19] =	ssyncadd.s32 $0xFFFFC000  }
0x1af: {  	_ =	swait.ge [sflag:s19], $0x4000  }
0x1b0: {  	[sflag:s19] =	ssyncset.done $0x0  }
0x1b1: {  	[sflag:s19] =	ssyncadd.s32 $0xFFFFC000  }
0x1b2: {  	_ =	swait.ge [sflag:s19], $0x4000  }
0x1b3: {  	[sflag:s19] =	ssyncset.done $0x0  }
0x1b4: {  	[sflag:s19] =	ssyncadd.s32 $0xFFFFC000  }
0x1b5: {  	_ =	swait.ge [sflag:s19], $0x4000  }
0x1b6: {  	[sflag:s19] =	ssyncset.done $0x0  }
0x1b7: {  	[sflag:s19] =	ssyncadd.s32 $0xFFFFC000  }
0x1b8: {  	_ =	swait.ge [sflag:s19], $0x4000  }
0x1b9: {  	[sflag:s19] =	ssyncset.done $0x0  }
0x1ba: {  	[sflag:s19] =	ssyncadd.s32 $0xFFFFC000  }
0x1bb: {  	_ =	swait.ge [sflag:s19], $0x4000  }
0x1bc: {  	[sflag:s19] =	ssyncset.done $0x0  }
0x1bd: {  	s31 =	simm.s32 $0x0;
	[sflag:s19] =	ssyncadd.s32 $0xFFFFC000  }
0x1be: {  	v4 =	vld [tilespmem:s31+$0x8C00]  }
0x1bf: {  	v3 =	vld [tilespmem:s31+$0xC10]  }
0x1c0: {  	v5 =	vld [tilespmem:s31+$0x4C10]  }
0x1c1: {  	v6 =	vld [tilespmem:s31+$0xCC10]  }
0x1c2: {  	v1 =	vld [tilespmem:s31+$0xC00]  }
0x1c3: {  	v7 =	vld [tilespmem:s31+$0x4C00]  }
0x1c4: {  	v8 =	vld [tilespmem:s31+$0xCC00]  }
0x1c5: {  	v9 =	vld [tilespmem:s31+$0x10C00]  }
0x1c6: {  	v10 =	vld [tilespmem:s31+$0x10C10]  }
0x1c7: {  	v11 =	vld [tilespmem:s31+$0x14C00]  }
0x1c8: {  	v12 =	vld [tilespmem:s31+$0x8C10]  }
0x1c9: {  	s0 =	simm.s32 $0x80;
	v13 =	vld [tilespmem:s31+$0x14C10]  }
0x1ca: {  	v2 =	vld [tilespmem:s0+$0x8C00];
	v7 =	vadd.f32 v7, v1;
	v8 =	vadd.f32 v9, v8  }
0x1cb: {  	v1 =	vld [tilespmem:s0+$0xC10];
	v5 =	vadd.f32 v5, v3;
	v6 =	vadd.f32 v10, v6  }
0x1cc: {  	v3 =	vld [tilespmem:s0+$0x4C10];
	v7 =	vsub.f32 v7, v4;
	v8 =	vsub.f32 v8, v11  }
0x1cd: {  	v4 =	vld [tilespmem:s0+$0xCC10];
	v9 =	vsub.f32 v5, v12  }
0x1ce: {  	v5 =	vld [tilespmem:s0+$0xC00];
	v11 =	vsub.f32 v6, v13;
	v7 =	vand.u32 $0x7FFFFFFF, v7;
	v8 =	vand.u32 $0x7FFFFFFF, v8  }
0x1cf: {  	v6 =	vld [tilespmem:s0+$0x4C00];
	v10 =	vsub.f32 v8, v7  }
0x1d0: {  	s8 =	simm.s32 $0x400;
	v7 =	vld [tilespmem:s0+$0xCC00];
	v8 =	vand.u32 $0x7FFFFFFF, v9;
	v9 =	vand.u32 $0x7FFFFFFF, v11  }
.LBB2_12:
0x1d1: {  	p0 =	sne.s32 s8, $0xFE00;
	v11 =	vld [tilespmem:s0+$0x10C00];
	v0 =	vadd.f32 v10, v0;
	v8 =	vsub.f32 v9, v8  }
0x1d2: {  	v9 =	vld [tilespmem:s0+$0x10C10]  }
0x1d3: {  	v10 =	vld [tilespmem:s0+$0x14C00];
	v0 =	vadd.f32 v8, v0  }
0x1d4: {  	v8 =	vld [tilespmem:s0+$0x8C10]  }
0x1d5: {  	v12 =	vld [tilespmem:s0+$0x14C10];
	s0 =	sshra.s32 s8, $0x2  }
0x1d6: {  	v5 =	vadd.f32 v6, v5;
	v13 =	vld [tilespmem:s0+$0x8C00];
	v6 =	vadd.f32 v11, v7  }
0x1d7: {  	v7 =	vadd.f32 v3, v1;
	v1 =	vld [tilespmem:s0+$0xC10];
	v9 =	vadd.f32 v9, v4  }
.Ltmp5:
0x1d8: {  	v14 =	vsub.f32 v5, v2;
	v3 =	vld [tilespmem:s0+$0x4C10];
	v6 =	vsub.f32 v6, v10;
	(pc) =	sbr.rel @p0 .LBB2_12-.Ltmp5, $4  }
0x1d9: {  	v4 =	vld [tilespmem:s0+$0xCC10];
	v8 =	vsub.f32 v7, v8  }
0x1da: {  	v11 =	vand.u32 $0x7FFFFFFF, v14;
	v5 =	vld [tilespmem:s0+$0xC00];
	v7 =	vand.u32 $0x7FFFFFFF, v6;
	v9 =	vsub.f32 v9, v12  }
0x1db: {  	v6 =	vld [tilespmem:s0+$0x4C00];
	v10 =	vsub.f32 v7, v11;
	v2 =	vmov v13  }
0x1dc: {  	s8 =	sadd.s32 $0x200, s8;
	v8 =	vand.u32 $0x7FFFFFFF, v8;
	v7 =	vld [tilespmem:s0+$0xCC00];
	v9 =	vand.u32 $0x7FFFFFFF, v9  }
0x1dd: {  	v11 =	vld [tilespmem:s0+$0x10C00]  }
0x1de: {  	v12 =	vld [tilespmem:s0+$0x10C10]  }
0x1df: {  	v13 =	vld [tilespmem:s0+$0x14C00];
	s2 =	simm.s32 $0x0;
	s10 =	rddreg [dreg:$0x19]  }
0x1e0: {  	v14 =	vld [tilespmem:s0+$0x8C10];
	[smem:s2], [sflag:$0x2] =	stream.linear.gather [spmem:s10], $0x80, $0x38  }
0x1e1: {  	v15 =	vld [tilespmem:s0+$0x14C10];
	_ =	swait.ge [sflag:s13], $0x80  }
0x1e2: {  	[sflag:s13] =	ssyncset.done $0x0  }
0x1e3: {  	s11 =	rddreg [dreg:$0x1a];
	[sflag:s13] =	ssyncadd.s32 $0xFFFFFF80  }
0x1e4: {  	[smem:s14], [sflag:$0x2] =	stream.linear.gather [spmem:s11], $0x80, $0x38;
	[tilespmem:$0x18C80] =	vst v63  }
0x1e5: {  	_ =	swait.ge [sflag:s13], $0x80  }
0x1e6: {  	[sflag:s13] =	ssyncset.done $0x0  }
0x1e7: {  	s12 =	rddreg [dreg:$0x1b];
	[sflag:s13] =	ssyncadd.s32 $0xFFFFFF80  }
0x1e8: {  	[smem:s15], [sflag:$0x2] =	stream.linear.gather [spmem:s12], $0x80, $0x38;
	[tilespmem:$0x18C80] =	vst v63  }
0x1e9: {  	_ =	swait.ge [sflag:s13], $0x80  }
0x1ea: {  	[sflag:s13] =	ssyncset.done $0x0  }
0x1eb: {  	s21 =	rddreg [dreg:$0x1c];
	[sflag:s13] =	ssyncadd.s32 $0xFFFFFF80  }
0x1ec: {  	[smem:s16], [sflag:$0x2] =	stream.linear.gather [spmem:s21], $0x80, $0x38;
	[tilespmem:$0x18C80] =	vst v63  }
0x1ed: {  	_ =	swait.ge [sflag:s13], $0x80  }
0x1ee: {  	[sflag:s13] =	ssyncset.done $0x0  }
0x1ef: {  	s22 =	rddreg [dreg:$0x1d];
	[sflag:s13] =	ssyncadd.s32 $0xFFFFFF80  }
0x1f0: {  	[smem:s17], [sflag:$0x2] =	stream.linear.gather [spmem:s22], $0x80, $0x38;
	[tilespmem:$0x18C80] =	vst v63  }
0x1f1: {  	_ =	swait.ge [sflag:s13], $0x80  }
0x1f2: {  	[sflag:s13] =	ssyncset.done $0x0  }
0x1f3: {  	s23 =	rddreg [dreg:$0x1e];
	[sflag:s13] =	ssyncadd.s32 $0xFFFFFF80  }
0x1f4: {  	[smem:s18], [sflag:$0x2] =	stream.linear.gather [spmem:s23], $0x80, $0x38;
	[tilespmem:$0x18C80] =	vst v63  }
0x1f5: {  	_ =	swait.ge [sflag:s13], $0x80  }
0x1f6: {  	[sflag:s13] =	ssyncset.done $0x0  }
0x1f7: {  	[sflag:s13] =	ssyncadd.s32 $0xFFFFFF80  }
0x1f8: {  	s24 =	sld [smem:$0x280]  }
0x1f9: {  	s26 =	sld [smem:$0x200]  }
0x1fa: {  	s3 =	sld [smem:$0x180]  }
0x1fb: {  	s4 =	sld [smem:$0x100]  }
0x1fc: {  	s5 =	sld [smem:$0x80]  }
0x1fd: {  	s6 =	sld [smem:$0x0]  }
0x1fe: {  	s8 =	simm.s32 $0xC00;
	s9 =	simm.s32 $0x4C00;
	s25 =	simm.s32 $0x14C00  }
0x1ff: {  	s31 =	simm.s32 $0x10C80;
	s10 =	simm.s32 $0x8C00;
	s11 =	simm.s32 $0xCC00  }
0x200: {  	s12 =	simm.s32 $0x10C00;
	s21 =	simm.s32 $0x8;
	s6 =	sshll.u32 s6, $0x4  }
0x201: {  	s22 =	simm.s32 $0x8C80;
	s5 =	sshll.u32 s5, $0x4;
	s6 =	sand.u32 $0x1FFFFFF0, s6  }
0x202: {  	s4 =	sshll.u32 s4, $0x4;
	s5 =	sand.u32 $0x1FFFFFF0, s5;
	s6 =	sadd.s32 s28, s6  }
0x203: {  	[tilespmem:s8], [sflag:$0x1] =	stream.linear.gather [hbm4b:s6+s1], $0x80, $0x38;
	[tilespmem:$0x18C80] =	vst v63  }
0x204: {  	v0 =	vadd.f32 v10, v0;
	s3 =	sshll.u32 s3, $0x4;
	s4 =	sand.u32 $0x1FFFFFF0, s4;
	s5 =	sadd.s32 s29, s5  }
0x205: {  	v5 =	vadd.f32 v6, v5;
	v61 =	vadd.f32 v11, v7;
	[tilespmem:s9], [sflag:$0x1] =	stream.linear.gather [hbm4b:s5+s1], $0x80, $0x38;
	[tilespmem:$0x18C80] =	vst v63  }
0x206: {  	v1 =	vadd.f32 v3, v1;
	v3 =	vadd.f32 v12, v4;
	s0 =	sshll.u32 s24, $0x4;
	s3 =	sand.u32 $0x1FFFFFF0, s3;
	s9 =	sadd.s32 s28, s4  }
0x207: {  	v2 =	vsub.f32 v5, v2;
	v62 =	vsub.f32 v61, v13;
	[tilespmem:s10], [sflag:$0x1] =	stream.linear.gather [hbm4b:s9+s1], $0x80, $0x38;
	[tilespmem:$0x18C80] =	vst v63  }
0x208: {  	v63 =	vsub.f32 v9, v8;
	v1 =	vsub.f32 v1, v14;
	s2 =	sshll.u32 s26, $0x4;
	s10 =	sadd.s32 s28, s3;
	s23 =	sld [smem:$0x281]  }
0x209: {  	v2 =	vand.u32 $0x7FFFFFFF, v2;
	v3 =	vsub.f32 v3, v15;
	v4 =	vand.u32 $0x7FFFFFFF, v62;
	[tilespmem:s11], [sflag:$0x1] =	stream.linear.gather [hbm4b:s10+s1], $0x80, $0x38;
	[tilespmem:$0x18C80] =	vst v63  }
0x20a: {  	v0 =	vadd.f32 v63, v0;
	v2 =	vsub.f32 v4, v2;
	s2 =	sand.u32 $0x1FFFFFF0, s2;
	s8 =	sand.u32 $0x1FFFFFF0, s0;
	s0 =	sld [smem:$0x201]  }
0x20b: {  	v1 =	vand.u32 $0x7FFFFFFF, v1;
	v3 =	vand.u32 $0x7FFFFFFF, v3;
	s24 =	simm.s32 $0x14C80;
	s2 =	sadd.s32 s29, s2;
	s11 =	sld [smem:$0x181]  }
0x20c: {  	v1 =	vsub.f32 v3, v1;
	v0 =	vadd.f32 v2, v0;
	[tilespmem:s12], [sflag:$0x1] =	stream.linear.gather [hbm4b:s2+s1], $0x80, $0x38;
	[tilespmem:$0x18C80] =	vst v63  }
0x20d: {  	s26 =	simm.s32 $0xCC80;
	s3 =	sadd.s32 s28, s8;
	s10 =	sld [smem:$0x101]  }
0x20e: {  	v0 =	vadd.f32 v1, v0;
	s9 =	simm.s32 $0xC80;
	s8 =	simm.s32 $0x4C80;
	s12 =	sld [smem:$0x81]  }
0x20f: {  	s0 =	sshll.u32 s0, $0x4;
	s11 =	sshll.u32 s11, $0x4;
	s2 =	sld [smem:$0x1]  }
.LBB2_14:
0x210: {  	[tilespmem:s25], [sflag:$0x1] =	stream.linear.gather [hbm4b:s3+s1], $0x80, $0x38;
	[tilespmem:$0x18C80] =	vst v63  }
0x211: {  	p0 =	sne.s32 s21, $0x1FC;
	s3 =	smov.u32 s21;
	s21 =	sadd.s32 $0x4, s21  }
0x212: {  	s4 =	sand.u32 $0x1FFFFFF0, s11;
	s5 =	sshll.u32 s23, $0x4;
	s2 =	sshll.u32 s2, $0x4  }
0x213: {  	s6 =	sshll.u32 s12, $0x4;
	s5 =	sand.u32 $0x1FFFFFF0, s5;
	s2 =	sand.u32 $0x1FFFFFF0, s2  }
0x214: {  	s10 =	sshll.u32 s10, $0x4;
	s6 =	sand.u32 $0x1FFFFFF0, s6;
	s2 =	sadd.s32 s28, s2  }
0x215: {  	[tilespmem:s9], [sflag:$0x1] =	stream.linear.gather [hbm4b:s2+s1], $0x80, $0x38;
	[tilespmem:$0x18C80] =	vst v63  }
0x216: {  	s25 =	smov.u32 s24;
	s2 =	sand.u32 $0x1FFFFFF0, s10  }
0x217: {  	s6 =	sadd.s32 s29, s6;
	s2 =	sadd.s32 s28, s2  }
0x218: {  	[tilespmem:s8], [sflag:$0x1] =	stream.linear.gather [hbm4b:s6+s1], $0x80, $0x38;
	[tilespmem:$0x18C80] =	vst v63  }
0x219: {  	s0 =	sand.u32 $0x1FFFFFF0, s0;
	s6 =	sshra.s32 s3, $0x2  }
0x21a: {  	[tilespmem:s22], [sflag:$0x1] =	stream.linear.gather [hbm4b:s2+s1], $0x80, $0x38;
	[tilespmem:$0x18C80] =	vst v63  }
0x21b: {  	s2 =	sadd.s32 s28, s4;
	s22 =	sadd.s32 $0x80, s22;
	s23 =	sld [smem:s6+$0x280]  }
0x21c: {  	[tilespmem:s26], [sflag:$0x1] =	stream.linear.gather [hbm4b:s2+s1], $0x80, $0x38;
	[tilespmem:$0x18C80] =	vst v63  }
0x21d: {  	s24 =	sadd.s32 $0x80, s24;
	s26 =	sadd.s32 $0x80, s26;
	s2 =	sld [smem:s6+$0x200]  }
.Ltmp6:
0x21e: {  	s0 =	sadd.s32 s29, s0;
	s3 =	sld [smem:s6+$0x180];
	(pc) =	sbr.rel @p0 .LBB2_14-.Ltmp6, $4  }
0x21f: {  	[tilespmem:s31], [sflag:$0x1] =	stream.linear.gather [hbm4b:s0+s1], $0x80, $0x38;
	[tilespmem:$0x18C80] =	vst v63  }
0x220: {  	s31 =	sadd.s32 $0x80, s31;
	s10 =	sld [smem:s6+$0x100];
	s0 =	sshll.u32 s2, $0x4  }
0x221: {  	s12 =	sld [smem:s6+$0x80];
	s11 =	sshll.u32 s3, $0x4;
	s3 =	sadd.s32 s28, s5  }
0x222: {  	s9 =	sadd.s32 $0x80, s9;
	s8 =	sadd.s32 $0x80, s8;
	s2 =	sld [smem:s6+$0x0]  }
0x223: {  	_ = 	snop  }
0x224: {  	[tilespmem:s25], [sflag:$0x1] =	stream.linear.gather [hbm4b:s3+s1], $0x80, $0x38;
	[tilespmem:$0x18C80] =	vst v63  }
0x225: {  	s2 =	sshll.u32 s2, $0x4  }
0x226: {  	s6 =	sshll.u32 s12, $0x4;
	s2 =	sand.u32 $0x1FFFFFF0, s2  }
0x227: {  	s4 =	sshll.u32 s10, $0x4;
	s3 =	sand.u32 $0x1FFFFFF0, s6;
	s2 =	sadd.s32 s28, s2  }
0x228: {  	[tilespmem:s9], [sflag:$0x1] =	stream.linear.gather [hbm4b:s2+s1], $0x80, $0x38;
	[tilespmem:$0x18C80] =	vst v63  }
0x229: {  	s12 =	sand.u32 $0x1FFFFFF0, s4;
	s3 =	sadd.s32 s29, s3  }
0x22a: {  	[tilespmem:s8], [sflag:$0x1] =	stream.linear.gather [hbm4b:s3+s1], $0x80, $0x38;
	[tilespmem:$0x18C80] =	vst v63  }
0x22b: {  	s21 =	sand.u32 $0x1FFFFFF0, s11;
	s2 =	sadd.s32 s28, s12  }
0x22c: {  	[tilespmem:s22], [sflag:$0x1] =	stream.linear.gather [hbm4b:s2+s1], $0x80, $0x38;
	[tilespmem:$0x18C80] =	vst v63  }
0x22d: {  	s25 =	sshll.u32 s23, $0x4;
	s0 =	sand.u32 $0x1FFFFFF0, s0;
	s22 =	sadd.s32 s28, s21  }
0x22e: {  	[tilespmem:s26], [sflag:$0x1] =	stream.linear.gather [hbm4b:s22+s1], $0x80, $0x38;
	[tilespmem:$0x18C80] =	vst v63  }
0x22f: {  	s0 =	sadd.s32 s29, s0;
	s2 =	sand.u32 $0x1FFFFFF0, s25  }
0x230: {  	[tilespmem:s31], [sflag:$0x1] =	stream.linear.gather [hbm4b:s0+s1], $0x80, $0x38;
	[tilespmem:$0x18C80] =	vst v63  }
0x231: {  	s26 =	sadd.s32 s28, s2  }
0x232: {  	[tilespmem:s24], [sflag:$0x1] =	stream.linear.gather [hbm4b:s26+s1], $0x80, $0x38;
	[tilespmem:$0x18C80] =	vst v63  }
0x233: {  	_ =	swait.ge [sflag:s19], $0x4000  }
0x234: {  	[sflag:s19] =	ssyncset.done $0x0  }
0x235: {  	[sflag:s19] =	ssyncadd.s32 $0xFFFFC000  }
0x236: {  	_ =	swait.ge [sflag:s19], $0x4000  }
0x237: {  	[sflag:s19] =	ssyncset.done $0x0  }
0x238: {  	[sflag:s19] =	ssyncadd.s32 $0xFFFFC000  }
0x239: {  	_ =	swait.ge [sflag:s19], $0x4000  }
0x23a: {  	[sflag:s19] =	ssyncset.done $0x0  }
0x23b: {  	[sflag:s19] =	ssyncadd.s32 $0xFFFFC000  }
0x23c: {  	_ =	swait.ge [sflag:s19], $0x4000  }
0x23d: {  	[sflag:s19] =	ssyncset.done $0x0  }
0x23e: {  	[sflag:s19] =	ssyncadd.s32 $0xFFFFC000  }
0x23f: {  	_ =	swait.ge [sflag:s19], $0x4000  }
0x240: {  	[sflag:s19] =	ssyncset.done $0x0  }
0x241: {  	[sflag:s19] =	ssyncadd.s32 $0xFFFFC000  }
0x242: {  	_ =	swait.ge [sflag:s19], $0x4000  }
0x243: {  	[sflag:s19] =	ssyncset.done $0x0  }
0x244: {  	s31 =	simm.s32 $0x0;
	[sflag:s19] =	ssyncadd.s32 $0xFFFFC000  }
0x245: {  	v4 =	vld [tilespmem:s31+$0x8C00]  }
0x246: {  	v2 =	vld [tilespmem:s31+$0xC10]  }
0x247: {  	v5 =	vld [tilespmem:s31+$0x4C10]  }
0x248: {  	v6 =	vld [tilespmem:s31+$0xCC10]  }
0x249: {  	v1 =	vld [tilespmem:s31+$0xC00]  }
0x24a: {  	v7 =	vld [tilespmem:s31+$0x4C00]  }
0x24b: {  	v8 =	vld [tilespmem:s31+$0xCC00]  }
0x24c: {  	v9 =	vld [tilespmem:s31+$0x10C00]  }
0x24d: {  	v10 =	vld [tilespmem:s31+$0x10C10]  }
0x24e: {  	v11 =	vld [tilespmem:s31+$0x14C00]  }
0x24f: {  	v12 =	vld [tilespmem:s31+$0x8C10]  }
0x250: {  	s0 =	simm.s32 $0x80;
	v13 =	vld [tilespmem:s31+$0x14C10]  }
0x251: {  	v3 =	vld [tilespmem:s0+$0x8C00];
	v7 =	vadd.f32 v7, v1;
	v8 =	vadd.f32 v9, v8  }
0x252: {  	v1 =	vld [tilespmem:s0+$0xC10];
	v5 =	vadd.f32 v5, v2;
	v6 =	vadd.f32 v10, v6  }
0x253: {  	v2 =	vld [tilespmem:s0+$0x4C10];
	v7 =	vsub.f32 v7, v4;
	v8 =	vsub.f32 v8, v11  }
0x254: {  	v4 =	vld [tilespmem:s0+$0xCC10];
	v10 =	vsub.f32 v5, v12  }
0x255: {  	v5 =	vld [tilespmem:s0+$0xC00];
	v11 =	vsub.f32 v6, v13;
	v7 =	vand.u32 $0x7FFFFFFF, v7;
	v8 =	vand.u32 $0x7FFFFFFF, v8  }
0x256: {  	v6 =	vld [tilespmem:s0+$0x4C00];
	v9 =	vsub.f32 v8, v7  }
0x257: {  	s8 =	simm.s32 $0x400;
	v7 =	vld [tilespmem:s0+$0xCC00];
	v8 =	vand.u32 $0x7FFFFFFF, v10;
	v10 =	vand.u32 $0x7FFFFFFF, v11  }
.LBB2_16:
0x258: {  	p0 =	sne.s32 s8, $0xFE00;
	v11 =	vld [tilespmem:s0+$0x10C00];
	v0 =	vadd.f32 v9, v0;
	v8 =	vsub.f32 v10, v8  }
0x259: {  	v9 =	vld [tilespmem:s0+$0x10C10]  }
0x25a: {  	v10 =	vld [tilespmem:s0+$0x14C00];
	v0 =	vadd.f32 v8, v0  }
0x25b: {  	v8 =	vld [tilespmem:s0+$0x8C10]  }
0x25c: {  	v12 =	vld [tilespmem:s0+$0x14C10];
	s0 =	sshra.s32 s8, $0x2  }
0x25d: {  	v5 =	vadd.f32 v6, v5;
	v13 =	vld [tilespmem:s0+$0x8C00];
	v6 =	vadd.f32 v11, v7  }
0x25e: {  	v7 =	vadd.f32 v2, v1;
	v1 =	vld [tilespmem:s0+$0xC10];
	v9 =	vadd.f32 v9, v4  }
.Ltmp7:
0x25f: {  	v14 =	vsub.f32 v5, v3;
	v2 =	vld [tilespmem:s0+$0x4C10];
	v6 =	vsub.f32 v6, v10;
	(pc) =	sbr.rel @p0 .LBB2_16-.Ltmp7, $4  }
0x260: {  	v4 =	vld [tilespmem:s0+$0xCC10];
	v8 =	vsub.f32 v7, v8  }
0x261: {  	v11 =	vand.u32 $0x7FFFFFFF, v14;
	v5 =	vld [tilespmem:s0+$0xC00];
	v7 =	vand.u32 $0x7FFFFFFF, v6;
	v10 =	vsub.f32 v9, v12  }
0x262: {  	v6 =	vld [tilespmem:s0+$0x4C00];
	v9 =	vsub.f32 v7, v11;
	v3 =	vmov v13  }
0x263: {  	s8 =	sadd.s32 $0x200, s8;
	v8 =	vand.u32 $0x7FFFFFFF, v8;
	v7 =	vld [tilespmem:s0+$0xCC00];
	v10 =	vand.u32 $0x7FFFFFFF, v10  }
0x264: {  	v11 =	vld [tilespmem:s0+$0x10C00]  }
0x265: {  	v12 =	vld [tilespmem:s0+$0x10C10]  }
0x266: {  	v13 =	vld [tilespmem:s0+$0x14C00]  }
0x267: {  	v14 =	vld [tilespmem:s0+$0x8C10]  }
0x268: {  	v0 =	vadd.f32 v9, v0;
	v59 =	vld [tilespmem:s0+$0x14C10]  }
0x269: {  	v5 =	vadd.f32 v6, v5;
	v60 =	vadd.f32 v11, v7  }
0x26a: {  	v1 =	vadd.f32 v2, v1;
	v61 =	vadd.f32 v12, v4  }
0x26b: {  	v3 =	vsub.f32 v5, v3;
	v62 =	vsub.f32 v60, v13  }
0x26c: {  	v63 =	vsub.f32 v10, v8;
	v1 =	vsub.f32 v1, v14  }
0x26d: {  	v3 =	vand.u32 $0x7FFFFFFF, v3;
	v2 =	vsub.f32 v61, v59;
	v4 =	vand.u32 $0x7FFFFFFF, v62  }
0x26e: {  	v0 =	vadd.f32 v63, v0;
	v3 =	vsub.f32 v4, v3  }
0x26f: {  	v1 =	vand.u32 $0x7FFFFFFF, v1;
	v2 =	vand.u32 $0x7FFFFFFF, v2  }
0x270: {  	v1 =	vsub.f32 v2, v1;
	v0 =	vadd.f32 v3, v0;
	_ =	sdelay $0x1  }
0x271: {  	s26 =	sld [smem:$0x7FC];
	v0 =	vadd.f32 v1, v0;
	_ =	sdelay $0x1  }
0x272: {  	s2 =	simm.s32 $0x18C00;
	[tilespmem:$0x18C00] =	vst v0  }
0x273: {  	[hbm4b:s26+s1] =	stream.linear.scatter [tilespmem:s2], [sflag:$0x2], $0x80, $0x38;
	[tilespmem:$0x18C80] =	vst v63  }
0x274: {  	_ =	swait.ge [sflag:s13], $0x80  }
0x275: {  	s31 =	sld [smem:$0x7FD];
	_ =	sdelay $0x1  }
0x276: {  	s20 =	sadd.s32 $0x1, s20  }
0x277: {  	p0 =	sne.s32 s20, s31  }
.Ltmp8:
0x278: {  	_ = 	snop;
	(pc) =	sbr.rel @p0 .LBB2_1-.Ltmp8, $3  }
0x279: {  	_ =	sdelay $0x1  }
0x27a: {  	[sflag:s13] =	ssyncset.done $0x0  }
0x27b: {  	[sflag:s13] =	ssyncadd.s32 $0xFFFFFF80  }
0x27c: {  	_ =	sfence.sel $0x180000  }
0x27d: {  	[bflag:$0x0] =	sbarrier.arrive $0xFFFF  }
0x27e: {  	_ =	strace $0x90000047  }
0x27f: {  	s0 =	stileid.u32;
	[bflag:$0x2] =	sbarrier.arrive $0xFFFF  }
0x280: {  	p0 =	sne.s32 s0, $0x0;
	s0 =	rddreg [dreg:$0x7]  }
0x281: {  	s0 =	sadd.s32 @!p0 $0x100000, s0  }
0x282: {  	[sflag:s0] =	ssyncadd.tile.s32 @!p0 $0x1;
	_ =	shalt  }
.Lfunc_end2:
_tile_overlayer_lowered:
.L_overlay_start_2:
0x283: {  	(tag) =	ssettag $0x2  }
0x284: {  	s0 =	rddreg [dreg:$0x0];
	s2 =	stileid.u32  }
0x285: {  	s1 =	rddreg [dreg:$0x1];
	p0 =	sne.s32 s2, $0x0  }
0x286: {  	s3 =	rddreg [dreg:$0x2];
	[bflag:$0x3] =	sbarrier.arrive $0xFFFF;
	s2 =	simm.s32 @!p0 $0x1C02  }
0x287: {  	[timem:s3], [sflag:s2] =	dma.local @!p0 [hbm:s0], s1  }
0x288: {  	s0 =	simm.s32 @!p0 $0x2  }
0x289: {  	_ =	swait.ge @!p0 [sflag:s0], s1  }
0x28a: {  	s1 =	ssub.s32 @!p0 $0x0, s1;
	[sflag:s0] =	ssyncset.done @!p0 $0x0  }
0x28b: {  	[sflag:s0] =	ssyncadd.s32 @!p0 s1  }
0x28c: {  	[bflag:$0x3] =	sbarrier.arrive $0xFFFF  }
0x28d: {  	_ =	shalt  }

</sc_bundles>
